<compile_context>
chip_gen: v7x
topology: tpu7x:2x2x1
jax: 0.10.2.dev20260603
libtpu: 0.0.44.dev20260713+nightly
codegen_flags: <defaults>
</compile_context>

<pallas_src>
import functools

import jax
import jax.numpy as jnp
from jax import lax
from jax.experimental import pallas as pl
from jax.experimental.pallas import tpu as pltpu
from jax.experimental.pallas import tpu_sc as plsc

N = 10000
E = 160000
D = 256
DE = 16
DO = 256
DH = D // 2
EW = 16

NUM_CORES = 2
NUM_SUBCORES = 16
EPT = E // NUM_SUBCORES
C = 80
ITERS = EPT // C
NP = 10240
RPT = NP // NUM_SUBCORES
ZR = 128


def _zero_fill(ref):
    rows, width = ref.shape
    nv = width // 16

    def body(i, carry):
        ref[i // nv, pl.ds((i % nv) * 16, 16)] = jnp.zeros((16,), jnp.float32)
        return carry

    lax.fori_loop(0, rows * nv, body, 0)


def _sc_body(xlo_hbm, xhi_hbm, e0_hbm, e1_hbm, src_hbm, dst_hbm,
             alo_out, ahi_out, e0_out, e1_out,
             src_v, dst_v, xrows, erows, zA, zE, A_sh, E_sh, sem):
    c = lax.axis_index("c")
    s = lax.axis_index("s")

    _zero_fill(zA)
    _zero_fill(zE)
    for j in range(RPT // ZR):
        lo = s * RPT + j * ZR
        pltpu.sync_copy(zA, A_sh.at[pl.ds(lo, ZR)])
        pltpu.sync_copy(zE, E_sh.at[pl.ds(lo, ZR)])
    plsc.subcore_barrier()

    def make_loop(x_hbm, e_hbm):
        def body(k, carry):
            base = s * EPT + k * C
            pltpu.sync_copy(src_hbm.at[pl.ds(base, C)], src_v)
            pltpu.sync_copy(dst_hbm.at[pl.ds(base, C)], dst_v)
            pltpu.async_copy(x_hbm.at[src_v], xrows, sem).wait()
            pltpu.sync_copy(e_hbm.at[pl.ds(base, C)], erows)
            pltpu.sync_copy(xrows, A_sh.at[dst_v], add=True)
            pltpu.sync_copy(erows, E_sh.at[dst_v], add=True)
            return carry
        lax.fori_loop(0, ITERS, body, 0)

    @pl.when(c == 0)
    def _():
        make_loop(xlo_hbm, e0_hbm)

    @pl.when(c == 1)
    def _():
        make_loop(xhi_hbm, e1_hbm)

    plsc.subcore_barrier()

    lo = s * RPT

    @pl.when(c == 0)
    def _():
        pltpu.sync_copy(A_sh.at[pl.ds(lo, RPT)], alo_out.at[pl.ds(lo, RPT)])
        pltpu.sync_copy(E_sh.at[pl.ds(lo, RPT)], e0_out.at[pl.ds(lo, RPT)])

    @pl.when(c == 1)
    def _():
        pltpu.sync_copy(A_sh.at[pl.ds(lo, RPT)], ahi_out.at[pl.ds(lo, RPT)])
        pltpu.sync_copy(E_sh.at[pl.ds(lo, RPT)], e1_out.at[pl.ds(lo, RPT)])


def _sc_aggregate(x_lo, x_hi, e0, e1, src, dst):
    mesh = plsc.VectorSubcoreMesh(core_axis_name="c", subcore_axis_name="s")
    f32 = jnp.float32
    run = pl.kernel(
        _sc_body,
        mesh=mesh,
        compiler_params=pltpu.CompilerParams(use_tc_tiling_on_sc=False),
        out_type=[
            jax.ShapeDtypeStruct((NP, DH), f32),
            jax.ShapeDtypeStruct((NP, DH), f32),
            jax.ShapeDtypeStruct((NP, EW), f32),
            jax.ShapeDtypeStruct((NP, EW), f32),
        ],
        scratch_types=[
            pltpu.VMEM((C,), jnp.int32),
            pltpu.VMEM((C,), jnp.int32),
            pltpu.VMEM((C, DH), f32),
            pltpu.VMEM((C, EW), f32),
            pltpu.VMEM((ZR, DH), f32),
            pltpu.VMEM((ZR, EW), f32),
            pltpu.VMEM_SHARED((NP, DH), f32),
            pltpu.VMEM_SHARED((NP, EW), f32),
            pltpu.SemaphoreType.DMA,
        ],
    )
    return run(x_lo, x_hi, e0, e1, src, dst)


BN = 1000


def _tc_body(x_ref, alo_ref, ahi_ref, e0_ref, e1_ref,
             ws_ref, wlo_ref, whi_ref, w0_ref, w1_ref,
             bs_ref, g_ref, b_ref, o_ref):
    hi = jax.lax.Precision.HIGHEST
    agg = jnp.dot(alo_ref[...], wlo_ref[...], precision=hi,
                  preferred_element_type=jnp.float32)
    agg = agg + jnp.dot(ahi_ref[...], whi_ref[...], precision=hi,
                        preferred_element_type=jnp.float32)
    agg = agg + jnp.dot(e0_ref[...], w0_ref[...], precision=hi,
                        preferred_element_type=jnp.float32)
    agg = agg + jnp.dot(e1_ref[...], w1_ref[...], precision=hi,
                        preferred_element_type=jnp.float32)
    deg = e0_ref[...][:, 8:9]
    agg = agg / jnp.maximum(deg, 1.0)
    comb = jnp.dot(x_ref[...], ws_ref[...], precision=hi,
                   preferred_element_type=jnp.float32)
    comb = comb + bs_ref[...] + agg
    mean = jnp.mean(comb, axis=1, keepdims=True)
    cen = comb - mean
    var = jnp.mean(cen * cen, axis=1, keepdims=True)
    normed = cen * lax.rsqrt(var + 1e-5)
    out = normed * g_ref[...] + b_ref[...]
    o_ref[...] = jnp.maximum(out, 0.0)


def _tc_combine(x, a_lo, a_hi, e0a, e1a, W_self, Wm_lo, Wm_hi, Wm0, Wm1,
                b_self, ln_gamma, ln_beta):
    grid = (N // BN,)
    full = lambda i: (0, 0)
    row = lambda i: (i, 0)
    return pl.pallas_call(
        _tc_body,
        grid=grid,
        in_specs=[
            pl.BlockSpec((BN, D), row),
            pl.BlockSpec((BN, DH), row),
            pl.BlockSpec((BN, DH), row),
            pl.BlockSpec((BN, EW), row),
            pl.BlockSpec((BN, EW), row),
            pl.BlockSpec((D, DO), full),
            pl.BlockSpec((DH, DO), full),
            pl.BlockSpec((DH, DO), full),
            pl.BlockSpec((EW, DO), full),
            pl.BlockSpec((EW, DO), full),
            pl.BlockSpec((1, DO), full),
            pl.BlockSpec((1, DO), full),
            pl.BlockSpec((1, DO), full),
        ],
        out_specs=pl.BlockSpec((BN, DO), row),
        out_shape=jax.ShapeDtypeStruct((N, DO), jnp.float32),
    )(x, a_lo, a_hi, e0a, e1a, W_self, Wm_lo, Wm_hi, Wm0, Wm1,
      b_self, ln_gamma, ln_beta)


@jax.jit
def _run(node_features, edge_index, edge_features, W_self, b_self,
         W_msg, b_msg, ln_gamma, ln_beta):
    f32 = jnp.float32
    src = edge_index[0]
    dst = edge_index[1]
    x_lo = node_features[:, :DH]
    x_hi = node_features[:, DH:]
    e0 = jnp.concatenate(
        [edge_features[:, :8], jnp.ones((E, 1), f32), jnp.zeros((E, 7), f32)],
        axis=1)
    e1 = jnp.concatenate([edge_features[:, 8:], jnp.zeros((E, 8), f32)], axis=1)

    a_lo, a_hi, e0a, e1a = _sc_aggregate(x_lo, x_hi, e0, e1, src, dst)

    Wm_lo = W_msg[:DH]
    Wm_hi = W_msg[DH:D]
    Wm0 = jnp.concatenate(
        [W_msg[D:D + 8], b_msg[None, :], jnp.zeros((7, DO), f32)], axis=0)
    Wm1 = jnp.concatenate([W_msg[D + 8:D + 16], jnp.zeros((8, DO), f32)], axis=0)

    return _tc_combine(node_features, a_lo, a_hi, e0a, e1a,
                       W_self, Wm_lo, Wm_hi, Wm0, Wm1,
                       b_self[None, :], ln_gamma[None, :], ln_beta[None, :])


def kernel(node_features, edge_index, edge_features, W_self, b_self,
           W_msg, b_msg, ln_gamma, ln_beta):
    return _run(node_features, edge_index, edge_features, W_self, b_self,
                W_msg, b_msg, ln_gamma, ln_beta)

# --- scband reference (transcript-rebuilt; emitter-appended) ---
"""Pipeline reference for scband-graph-sagelayer-3693671874953 (READ-ONLY COPY).

The authoritative reference and input builder live on the scoring server;
editing this copy changes nothing except your own understanding.
"""

import jax, jax.numpy as jnp
import numpy as np

N, E, D, DE, DO = 10000, 160000, 256, 16, 256

def setup_inputs(seed: int = 0) -> dict:
    key = jax.random.key(seed)
    ks = jax.random.split(key, 6)
    node_features = jax.random.normal(ks[0], (N, D), dtype=jnp.float32)
    edge_index = jax.random.randint(ks[1], (2, E), 0, N, dtype=jnp.int32)
    edge_features = jax.random.normal(ks[2], (E, DE), dtype=jnp.float32)
    W_self = jax.random.normal(ks[3], (D, DO), dtype=jnp.float32) * 0.05
    b_self = jnp.zeros((DO,), dtype=jnp.float32)
    W_msg = jax.random.normal(ks[4], (D + DE, DO), dtype=jnp.float32) * 0.05
    b_msg = jnp.zeros((DO,), dtype=jnp.float32)
    ln_gamma = jnp.ones((DO,), dtype=jnp.float32)
    ln_beta = jnp.zeros((DO,), dtype=jnp.float32)
    return {"node_features": node_features, "edge_index": edge_index, "edge_features": edge_features, "W_self": W_self, "b_self": b_self, "W_msg": W_msg, "b_msg": b_msg, "ln_gamma": ln_gamma, "ln_beta": ln_beta}

def reference(node_features, edge_index, edge_features, W_self, b_self, W_msg, b_msg, ln_gamma, ln_beta):
    num_nodes = node_features.shape[0]
    src = edge_index[0]
    dst = edge_index[1]
    # gather source node features
    messages = jnp.take(node_features, src, axis=0)
    # concat edge features (use_edge_features=True)
    messages = jnp.concatenate([messages, edge_features], axis=-1)
    # message projection
    messages = messages @ W_msg + b_msg
    # scatter-add aggregation to target nodes
    aggregated = jax.ops.segment_sum(messages, dst, num_segments=num_nodes)
    degree = jax.ops.segment_sum(jnp.ones((dst.shape[0],), dtype=node_features.dtype), dst, num_segments=num_nodes)
    aggregated = aggregated / jnp.clip(degree, 1.0, None)[:, None]
    # self projection + combine
    combined = node_features @ W_self + b_self + aggregated
    # LayerNorm (eps=1e-5, biased variance, matching torch)
    mean = jnp.mean(combined, axis=-1, keepdims=True)
    var = jnp.var(combined, axis=-1, keepdims=True)
    normed = (combined - mean) / jnp.sqrt(var + 1e-5)
    out = normed * ln_gamma + ln_beta
    # ReLU (activate=True); dropout p=0.0 is identity
    out = jax.nn.relu(out)
    return out

if __name__ == "__main__":
    import jax
    _d = setup_inputs()
    print(jax.jit(kernel)(*tuple(_d.values())))

</pallas_src>

<mosaic_0001>
#map = affine_map<(d0, d1) -> (0, 0)>
#map1 = affine_map<(d0, d1) -> (0)>
module attributes {stable_mosaic.version = 14 : i64} {
  func.func @_sc_body(%arg0: i32, %arg1: i32, %arg2: memref<10000x128xf32, #tpu.memory_space<hbm>>, %arg3: memref<10000x128xf32, #tpu.memory_space<hbm>>, %arg4: memref<160000x16xf32, #tpu.memory_space<hbm>>, %arg5: memref<160000x16xf32, #tpu.memory_space<hbm>>, %arg6: memref<160000xi32, #tpu.memory_space<hbm>>, %arg7: memref<160000xi32, #tpu.memory_space<hbm>>, %arg8: memref<10240x128xf32, #tpu.memory_space<hbm>>, %arg9: memref<10240x128xf32, #tpu.memory_space<hbm>>, %arg10: memref<10240x16xf32, #tpu.memory_space<hbm>>, %arg11: memref<10240x16xf32, #tpu.memory_space<hbm>>, %arg12: memref<80xi32, #tpu.memory_space<vmem>>, %arg13: memref<80xi32, #tpu.memory_space<vmem>>, %arg14: memref<80x128xf32, #tpu.memory_space<vmem>>, %arg15: memref<80x16xf32, #tpu.memory_space<vmem>>, %arg16: memref<128x128xf32, #tpu.memory_space<vmem>>, %arg17: memref<128x16xf32, #tpu.memory_space<vmem>>, %arg18: memref<10240x128xf32, #tpu.memory_space<vmem_shared>>, %arg19: memref<10240x16xf32, #tpu.memory_space<vmem_shared>>, %arg20: memref<!tpu.dma_semaphore, #tpu.memory_space<semaphore_mem>>) attributes {dimension_semantics = [#tpu.dimension_semantics<core_parallel>, #tpu.dimension_semantics<subcore_parallel>], iteration_bounds = array<i64: 2, 16>, scalar_prefetch = 0 : i64, scratch_operands = 9 : i64, tpu.core_type = #tpu.core_type<sc_vector_subcore>, window_params = [{transform_indices = #map}, {transform_indices = #map}, {transform_indices = #map}, {transform_indices = #map}, {transform_indices = #map1}, {transform_indices = #map1}, {transform_indices = #map}, {transform_indices = #map}, {transform_indices = #map}, {transform_indices = #map}]} {
    %scan3A = arith.constant 0 : i32
    %scan3A_0 = arith.constant 0 : i32
    %scan3A_1 = arith.constant 1024 : i32
    %scan3A_2 = arith.addi %scan3A_0, %scan3A_1 : i32
    %scan3A_3 = arith.constant 1 : i32
    scf.for %scan3A_49 = %scan3A_0 to %scan3A_2 step %scan3A_3  : i32 {
      %broadcast_in_dim3A = arith.constant 0.000000e+00 : f32
      %broadcast_in_dim3A_50 = vector.broadcast %broadcast_in_dim3A : f32 to vector<16xf32>
      %jit3A = arith.constant 8 : i32
      %div3A = arith.divsi %scan3A_49, %jit3A : i32
      %sign3A = arith.constant 0 : i32
      %sign3A_51 = arith.cmpi sgt, %scan3A_49, %sign3A : i32
      %sign3A_52 = arith.extui %sign3A_51 : i1 to i32
      %sign3A_53 = arith.constant 0 : i32
      %sign3A_54 = arith.cmpi slt, %scan3A_49, %sign3A_53 : i32
      %sign3A_55 = arith.extui %sign3A_54 : i1 to i32
      %sign3A_56 = arith.subi %sign3A_52, %sign3A_55 : i32
      %sign3A_57 = arith.constant 0 : i32
      %sign3A_58 = arith.cmpi sgt, %jit3A, %sign3A_57 : i32
      %sign3A_59 = arith.extui %sign3A_58 : i1 to i32
      %sign3A_60 = arith.constant 0 : i32
      %sign3A_61 = arith.cmpi slt, %jit3A, %sign3A_60 : i32
      %sign3A_62 = arith.extui %sign3A_61 : i1 to i32
      %sign3A_63 = arith.subi %sign3A_59, %sign3A_62 : i32
      %ne3A = arith.cmpi ne, %sign3A_56, %sign3A_63 : i32
      %rem3A = arith.remsi %scan3A_49, %jit3A : i32
      %ne3A_64 = arith.constant 0 : i32
      %ne3A_65 = arith.cmpi ne, %rem3A, %ne3A_64 : i32
      %and3A = arith.andi %ne3A, %ne3A_65 : i1
      %sub3A = arith.constant 1 : i32
      %sub3A_66 = arith.subi %div3A, %sub3A : i32
      %select_n3A = arith.select %and3A, %sub3A_66, %div3A : i32
      %jit3A_67 = arith.constant 8 : i32
      %eq3A_68 = arith.constant 0 : i32
      %eq3A_69 = arith.cmpi eq, %jit3A_67, %eq3A_68 : i32
      %jit3A_70 = arith.constant 1 : i32
      %select_n3A_71 = arith.select %eq3A_69, %jit3A_70, %jit3A_67 : i32
      %rem3A_72 = arith.remsi %scan3A_49, %select_n3A_71 : i32
      %ne3A_73 = arith.constant 0 : i32
      %ne3A_74 = arith.cmpi ne, %rem3A_72, %ne3A_73 : i32
      %lt3A = arith.constant 0 : i32
      %lt3A_75 = arith.cmpi slt, %rem3A_72, %lt3A : i32
      %lt3A_76 = arith.constant 0 : i32
      %lt3A_77 = arith.cmpi slt, %select_n3A_71, %lt3A_76 : i32
      %ne3A_78 = arith.xori %lt3A_75, %lt3A_77 : i1
      %and3A_79 = arith.andi %ne3A_78, %ne3A_74 : i1
      %add3A_80 = arith.addi %rem3A_72, %select_n3A_71 : i32
      %select_n3A_81 = arith.select %and3A_79, %add3A_80, %rem3A_72 : i32
      %mul3A_82 = arith.constant 16 : i32
      %mul3A_83 = arith.muli %select_n3A_81, %mul3A_82 : i32
      %swap3A = arith.index_cast %select_n3A : i32 to index
      %swap3A_84 = arith.index_cast %mul3A_83 : i32 to index
      %swap3A_85 = tpu.vector_load %arg16[%swap3A, %swap3A_84] {strides = array<i32>} : memref<128x128xf32, #tpu.memory_space<vmem>>, vector<1x16xf32>,
      %swap3A_86 = vector.shape_cast %swap3A_85 : vector<1x16xf32> to vector<16xf32>
      %swap3A_87 = vector.shape_cast %broadcast_in_dim3A_50 : vector<16xf32> to vector<1x16xf32>
      tpu.vector_store %arg16[%swap3A, %swap3A_84], %swap3A_87 {strides = array<i32>} : memref<128x128xf32, #tpu.memory_space<vmem>>, vector<1x16xf32>,
    }
    %scan3A_4 = arith.constant 1024 : i32
    %scan3A_5 = arith.constant 0 : i32
    %scan3A_6 = arith.constant 0 : i32
    %scan3A_7 = arith.constant 128 : i32
    %scan3A_8 = arith.addi %scan3A_6, %scan3A_7 : i32
    %scan3A_9 = arith.constant 1 : i32
    scf.for %scan3A_49 = %scan3A_6 to %scan3A_8 step %scan3A_9  : i32 {
      %broadcast_in_dim3A = arith.constant 0.000000e+00 : f32
      %broadcast_in_dim3A_50 = vector.broadcast %broadcast_in_dim3A : f32 to vector<16xf32>
      %jit3A = arith.constant 1 : i32
      %div3A = arith.divsi %scan3A_49, %jit3A : i32
      %sign3A = arith.constant 0 : i32
      %sign3A_51 = arith.cmpi sgt, %scan3A_49, %sign3A : i32
      %sign3A_52 = arith.extui %sign3A_51 : i1 to i32
      %sign3A_53 = arith.constant 0 : i32
      %sign3A_54 = arith.cmpi slt, %scan3A_49, %sign3A_53 : i32
      %sign3A_55 = arith.extui %sign3A_54 : i1 to i32
      %sign3A_56 = arith.subi %sign3A_52, %sign3A_55 : i32
      %sign3A_57 = arith.constant 0 : i32
      %sign3A_58 = arith.cmpi sgt, %jit3A, %sign3A_57 : i32
      %sign3A_59 = arith.extui %sign3A_58 : i1 to i32
      %sign3A_60 = arith.constant 0 : i32
      %sign3A_61 = arith.cmpi slt, %jit3A, %sign3A_60 : i32
      %sign3A_62 = arith.extui %sign3A_61 : i1 to i32
      %sign3A_63 = arith.subi %sign3A_59, %sign3A_62 : i32
      %ne3A = arith.cmpi ne, %sign3A_56, %sign3A_63 : i32
      %rem3A = arith.remsi %scan3A_49, %jit3A : i32
      %ne3A_64 = arith.constant 0 : i32
      %ne3A_65 = arith.cmpi ne, %rem3A, %ne3A_64 : i32
      %and3A = arith.andi %ne3A, %ne3A_65 : i1
      %sub3A = arith.constant 1 : i32
      %sub3A_66 = arith.subi %div3A, %sub3A : i32
      %select_n3A = arith.select %and3A, %sub3A_66, %div3A : i32
      %jit3A_67 = arith.constant 1 : i32
      %eq3A_68 = arith.constant 0 : i32
      %eq3A_69 = arith.cmpi eq, %jit3A_67, %eq3A_68 : i32
      %jit3A_70 = arith.constant 1 : i32
      %select_n3A_71 = arith.select %eq3A_69, %jit3A_70, %jit3A_67 : i32
      %rem3A_72 = arith.remsi %scan3A_49, %select_n3A_71 : i32
      %ne3A_73 = arith.constant 0 : i32
      %ne3A_74 = arith.cmpi ne, %rem3A_72, %ne3A_73 : i32
      %lt3A = arith.constant 0 : i32
      %lt3A_75 = arith.cmpi slt, %rem3A_72, %lt3A : i32
      %lt3A_76 = arith.constant 0 : i32
      %lt3A_77 = arith.cmpi slt, %select_n3A_71, %lt3A_76 : i32
      %ne3A_78 = arith.xori %lt3A_75, %lt3A_77 : i1
      %and3A_79 = arith.andi %ne3A_78, %ne3A_74 : i1
      %add3A_80 = arith.addi %rem3A_72, %select_n3A_71 : i32
      %select_n3A_81 = arith.select %and3A_79, %add3A_80, %rem3A_72 : i32
      %mul3A_82 = arith.constant 16 : i32
      %mul3A_83 = arith.muli %select_n3A_81, %mul3A_82 : i32
      %swap3A = arith.index_cast %select_n3A : i32 to index
      %swap3A_84 = arith.index_cast %mul3A_83 : i32 to index
      %swap3A_85 = tpu.vector_load %arg17[%swap3A, %swap3A_84] {strides = array<i32>} : memref<128x16xf32, #tpu.memory_space<vmem>>, vector<1x16xf32>,
      %swap3A_86 = vector.shape_cast %swap3A_85 : vector<1x16xf32> to vector<16xf32>
      %swap3A_87 = vector.shape_cast %broadcast_in_dim3A_50 : vector<16xf32> to vector<1x16xf32>
      tpu.vector_store %arg17[%swap3A, %swap3A_84], %swap3A_87 {strides = array<i32>} : memref<128x16xf32, #tpu.memory_space<vmem>>, vector<1x16xf32>,
    }
    %scan3A_10 = arith.constant 128 : i32
    %mul3A = arith.constant 640 : i32
    %mul3A_11 = arith.muli %arg1, %mul3A : i32
    %add3A = arith.constant 0 : i32
    %add3A_12 = arith.addi %mul3A_11, %add3A : i32
    "tpu.region"() ({
      %run_scoped3A = tpu.sem_alloc : memref<!tpu.dma_semaphore, #tpu.memory_space<semaphore_mem>>
      %dma_start3A = arith.constant 0 : i32
      %dma_start3A_49 = tpu.memref_slice %arg18[%add3A_12, %dma_start3A] : memref<10240x128xf32, #tpu.memory_space<vmem_shared>> -> memref<128x128xf32, #tpu.memory_space<vmem_shared>>
      %dma_start3A_50 = arith.constant 0 : i32
      %dma_start3A_51 = tpu.memref_slice %arg18[%add3A_12, %dma_start3A_50] : memref<10240x128xf32, #tpu.memory_space<vmem_shared>> -> memref<128x128xf32, #tpu.memory_space<vmem_shared>>
      tpu.enqueue_dma source(%arg16 : memref<128x128xf32, #tpu.memory_space<vmem>>) target(%dma_start3A_51 : memref<128x128xf32, #tpu.memory_space<vmem_shared>>) target_semaphore(%run_scoped3A : memref<!tpu.dma_semaphore, #tpu.memory_space<semaphore_mem>>)
      %dma_wait3A = arith.constant 0 : i32
      %dma_wait3A_52 = tpu.memref_slice %arg18[%add3A_12, %dma_wait3A] : memref<10240x128xf32, #tpu.memory_space<vmem_shared>> -> memref<128x128xf32, #tpu.memory_space<vmem_shared>>
      %dma_wait3A_53 = arith.constant 0 : i32
      %dma_wait3A_54 = tpu.memref_slice %arg18[%add3A_12, %dma_wait3A_53] : memref<10240x128xf32, #tpu.memory_space<vmem_shared>> -> memref<128x128xf32, #tpu.memory_space<vmem_shared>>
      tpu.wait_dma2 semaphore(%run_scoped3A : memref<!tpu.dma_semaphore, #tpu.memory_space<semaphore_mem>>) src(%arg16 : memref<128x128xf32, #tpu.memory_space<vmem>>) dst(%dma_wait3A_54 : memref<128x128xf32, #tpu.memory_space<vmem_shared>>)
      tpu.yield
    }) : () -> ()
    "tpu.region"() ({
      %run_scoped3A = tpu.sem_alloc : memref<!tpu.dma_semaphore, #tpu.memory_space<semaphore_mem>>
      %dma_start3A = arith.constant 0 : i32
      %dma_start3A_49 = tpu.memref_slice %arg19[%add3A_12, %dma_start3A] : memref<10240x16xf32, #tpu.memory_space<vmem_shared>> -> memref<128x16xf32, #tpu.memory_space<vmem_shared>>
      %dma_start3A_50 = arith.constant 0 : i32
      %dma_start3A_51 = tpu.memref_slice %arg19[%add3A_12, %dma_start3A_50] : memref<10240x16xf32, #tpu.memory_space<vmem_shared>> -> memref<128x16xf32, #tpu.memory_space<vmem_shared>>
      tpu.enqueue_dma source(%arg17 : memref<128x16xf32, #tpu.memory_space<vmem>>) target(%dma_start3A_51 : memref<128x16xf32, #tpu.memory_space<vmem_shared>>) target_semaphore(%run_scoped3A : memref<!tpu.dma_semaphore, #tpu.memory_space<semaphore_mem>>)
      %dma_wait3A = arith.constant 0 : i32
      %dma_wait3A_52 = tpu.memref_slice %arg19[%add3A_12, %dma_wait3A] : memref<10240x16xf32, #tpu.memory_space<vmem_shared>> -> memref<128x16xf32, #tpu.memory_space<vmem_shared>>
      %dma_wait3A_53 = arith.constant 0 : i32
      %dma_wait3A_54 = tpu.memref_slice %arg19[%add3A_12, %dma_wait3A_53] : memref<10240x16xf32, #tpu.memory_space<vmem_shared>> -> memref<128x16xf32, #tpu.memory_space<vmem_shared>>
      tpu.wait_dma2 semaphore(%run_scoped3A : memref<!tpu.dma_semaphore, #tpu.memory_space<semaphore_mem>>) src(%arg17 : memref<128x16xf32, #tpu.memory_space<vmem>>) dst(%dma_wait3A_54 : memref<128x16xf32, #tpu.memory_space<vmem_shared>>)
      tpu.yield
    }) : () -> ()
    %mul3A_13 = arith.constant 640 : i32
    %mul3A_14 = arith.muli %arg1, %mul3A_13 : i32
    %add3A_15 = arith.constant 128 : i32
    %add3A_16 = arith.addi %mul3A_14, %add3A_15 : i32
    "tpu.region"() ({
      %run_scoped3A = tpu.sem_alloc : memref<!tpu.dma_semaphore, #tpu.memory_space<semaphore_mem>>
      %dma_start3A = arith.constant 0 : i32
      %dma_start3A_49 = tpu.memref_slice %arg18[%add3A_16, %dma_start3A] : memref<10240x128xf32, #tpu.memory_space<vmem_shared>> -> memref<128x128xf32, #tpu.memory_space<vmem_shared>>
      %dma_start3A_50 = arith.constant 0 : i32
      %dma_start3A_51 = tpu.memref_slice %arg18[%add3A_16, %dma_start3A_50] : memref<10240x128xf32, #tpu.memory_space<vmem_shared>> -> memref<128x128xf32, #tpu.memory_space<vmem_shared>>
      tpu.enqueue_dma source(%arg16 : memref<128x128xf32, #tpu.memory_space<vmem>>) target(%dma_start3A_51 : memref<128x128xf32, #tpu.memory_space<vmem_shared>>) target_semaphore(%run_scoped3A : memref<!tpu.dma_semaphore, #tpu.memory_space<semaphore_mem>>)
      %dma_wait3A = arith.constant 0 : i32
      %dma_wait3A_52 = tpu.memref_slice %arg18[%add3A_16, %dma_wait3A] : memref<10240x128xf32, #tpu.memory_space<vmem_shared>> -> memref<128x128xf32, #tpu.memory_space<vmem_shared>>
      %dma_wait3A_53 = arith.constant 0 : i32
      %dma_wait3A_54 = tpu.memref_slice %arg18[%add3A_16, %dma_wait3A_53] : memref<10240x128xf32, #tpu.memory_space<vmem_shared>> -> memref<128x128xf32, #tpu.memory_space<vmem_shared>>
      tpu.wait_dma2 semaphore(%run_scoped3A : memref<!tpu.dma_semaphore, #tpu.memory_space<semaphore_mem>>) src(%arg16 : memref<128x128xf32, #tpu.memory_space<vmem>>) dst(%dma_wait3A_54 : memref<128x128xf32, #tpu.memory_space<vmem_shared>>)
      tpu.yield
    }) : () -> ()
    "tpu.region"() ({
      %run_scoped3A = tpu.sem_alloc : memref<!tpu.dma_semaphore, #tpu.memory_space<semaphore_mem>>
      %dma_start3A = arith.constant 0 : i32
      %dma_start3A_49 = tpu.memref_slice %arg19[%add3A_16, %dma_start3A] : memref<10240x16xf32, #tpu.memory_space<vmem_shared>> -> memref<128x16xf32, #tpu.memory_space<vmem_shared>>
      %dma_start3A_50 = arith.constant 0 : i32
      %dma_start3A_51 = tpu.memref_slice %arg19[%add3A_16, %dma_start3A_50] : memref<10240x16xf32, #tpu.memory_space<vmem_shared>> -> memref<128x16xf32, #tpu.memory_space<vmem_shared>>
      tpu.enqueue_dma source(%arg17 : memref<128x16xf32, #tpu.memory_space<vmem>>) target(%dma_start3A_51 : memref<128x16xf32, #tpu.memory_space<vmem_shared>>) target_semaphore(%run_scoped3A : memref<!tpu.dma_semaphore, #tpu.memory_space<semaphore_mem>>)
      %dma_wait3A = arith.constant 0 : i32
      %dma_wait3A_52 = tpu.memref_slice %arg19[%add3A_16, %dma_wait3A] : memref<10240x16xf32, #tpu.memory_space<vmem_shared>> -> memref<128x16xf32, #tpu.memory_space<vmem_shared>>
      %dma_wait3A_53 = arith.constant 0 : i32
      %dma_wait3A_54 = tpu.memref_slice %arg19[%add3A_16, %dma_wait3A_53] : memref<10240x16xf32, #tpu.memory_space<vmem_shared>> -> memref<128x16xf32, #tpu.memory_space<vmem_shared>>
      tpu.wait_dma2 semaphore(%run_scoped3A : memref<!tpu.dma_semaphore, #tpu.memory_space<semaphore_mem>>) src(%arg17 : memref<128x16xf32, #tpu.memory_space<vmem>>) dst(%dma_wait3A_54 : memref<128x16xf32, #tpu.memory_space<vmem_shared>>)
      tpu.yield
    }) : () -> ()
    %mul3A_17 = arith.constant 640 : i32
    %mul3A_18 = arith.muli %arg1, %mul3A_17 : i32
    %add3A_19 = arith.constant 256 : i32
    %add3A_20 = arith.addi %mul3A_18, %add3A_19 : i32
    "tpu.region"() ({
      %run_scoped3A = tpu.sem_alloc : memref<!tpu.dma_semaphore, #tpu.memory_space<semaphore_mem>>
      %dma_start3A = arith.constant 0 : i32
      %dma_start3A_49 = tpu.memref_slice %arg18[%add3A_20, %dma_start3A] : memref<10240x128xf32, #tpu.memory_space<vmem_shared>> -> memref<128x128xf32, #tpu.memory_space<vmem_shared>>
      %dma_start3A_50 = arith.constant 0 : i32
      %dma_start3A_51 = tpu.memref_slice %arg18[%add3A_20, %dma_start3A_50] : memref<10240x128xf32, #tpu.memory_space<vmem_shared>> -> memref<128x128xf32, #tpu.memory_space<vmem_shared>>
      tpu.enqueue_dma source(%arg16 : memref<128x128xf32, #tpu.memory_space<vmem>>) target(%dma_start3A_51 : memref<128x128xf32, #tpu.memory_space<vmem_shared>>) target_semaphore(%run_scoped3A : memref<!tpu.dma_semaphore, #tpu.memory_space<semaphore_mem>>)
      %dma_wait3A = arith.constant 0 : i32
      %dma_wait3A_52 = tpu.memref_slice %arg18[%add3A_20, %dma_wait3A] : memref<10240x128xf32, #tpu.memory_space<vmem_shared>> -> memref<128x128xf32, #tpu.memory_space<vmem_shared>>
      %dma_wait3A_53 = arith.constant 0 : i32
      %dma_wait3A_54 = tpu.memref_slice %arg18[%add3A_20, %dma_wait3A_53] : memref<10240x128xf32, #tpu.memory_space<vmem_shared>> -> memref<128x128xf32, #tpu.memory_space<vmem_shared>>
      tpu.wait_dma2 semaphore(%run_scoped3A : memref<!tpu.dma_semaphore, #tpu.memory_space<semaphore_mem>>) src(%arg16 : memref<128x128xf32, #tpu.memory_space<vmem>>) dst(%dma_wait3A_54 : memref<128x128xf32, #tpu.memory_space<vmem_shared>>)
      tpu.yield
    }) : () -> ()
    "tpu.region"() ({
      %run_scoped3A = tpu.sem_alloc : memref<!tpu.dma_semaphore, #tpu.memory_space<semaphore_mem>>
      %dma_start3A = arith.constant 0 : i32
      %dma_start3A_49 = tpu.memref_slice %arg19[%add3A_20, %dma_start3A] : memref<10240x16xf32, #tpu.memory_space<vmem_shared>> -> memref<128x16xf32, #tpu.memory_space<vmem_shared>>
      %dma_start3A_50 = arith.constant 0 : i32
      %dma_start3A_51 = tpu.memref_slice %arg19[%add3A_20, %dma_start3A_50] : memref<10240x16xf32, #tpu.memory_space<vmem_shared>> -> memref<128x16xf32, #tpu.memory_space<vmem_shared>>
      tpu.enqueue_dma source(%arg17 : memref<128x16xf32, #tpu.memory_space<vmem>>) target(%dma_start3A_51 : memref<128x16xf32, #tpu.memory_space<vmem_shared>>) target_semaphore(%run_scoped3A : memref<!tpu.dma_semaphore, #tpu.memory_space<semaphore_mem>>)
      %dma_wait3A = arith.constant 0 : i32
      %dma_wait3A_52 = tpu.memref_slice %arg19[%add3A_20, %dma_wait3A] : memref<10240x16xf32, #tpu.memory_space<vmem_shared>> -> memref<128x16xf32, #tpu.memory_space<vmem_shared>>
      %dma_wait3A_53 = arith.constant 0 : i32
      %dma_wait3A_54 = tpu.memref_slice %arg19[%add3A_20, %dma_wait3A_53] : memref<10240x16xf32, #tpu.memory_space<vmem_shared>> -> memref<128x16xf32, #tpu.memory_space<vmem_shared>>
      tpu.wait_dma2 semaphore(%run_scoped3A : memref<!tpu.dma_semaphore, #tpu.memory_space<semaphore_mem>>) src(%arg17 : memref<128x16xf32, #tpu.memory_space<vmem>>) dst(%dma_wait3A_54 : memref<128x16xf32, #tpu.memory_space<vmem_shared>>)
      tpu.yield
    }) : () -> ()
    %mul3A_21 = arith.constant 640 : i32
    %mul3A_22 = arith.muli %arg1, %mul3A_21 : i32
    %add3A_23 = arith.constant 384 : i32
    %add3A_24 = arith.addi %mul3A_22, %add3A_23 : i32
    "tpu.region"() ({
      %run_scoped3A = tpu.sem_alloc : memref<!tpu.dma_semaphore, #tpu.memory_space<semaphore_mem>>
      %dma_start3A = arith.constant 0 : i32
      %dma_start3A_49 = tpu.memref_slice %arg18[%add3A_24, %dma_start3A] : memref<10240x128xf32, #tpu.memory_space<vmem_shared>> -> memref<128x128xf32, #tpu.memory_space<vmem_shared>>
      %dma_start3A_50 = arith.constant 0 : i32
      %dma_start3A_51 = tpu.memref_slice %arg18[%add3A_24, %dma_start3A_50] : memref<10240x128xf32, #tpu.memory_space<vmem_shared>> -> memref<128x128xf32, #tpu.memory_space<vmem_shared>>
      tpu.enqueue_dma source(%arg16 : memref<128x128xf32, #tpu.memory_space<vmem>>) target(%dma_start3A_51 : memref<128x128xf32, #tpu.memory_space<vmem_shared>>) target_semaphore(%run_scoped3A : memref<!tpu.dma_semaphore, #tpu.memory_space<semaphore_mem>>)
      %dma_wait3A = arith.constant 0 : i32
      %dma_wait3A_52 = tpu.memref_slice %arg18[%add3A_24, %dma_wait3A] : memref<10240x128xf32, #tpu.memory_space<vmem_shared>> -> memref<128x128xf32, #tpu.memory_space<vmem_shared>>
      %dma_wait3A_53 = arith.constant 0 : i32
      %dma_wait3A_54 = tpu.memref_slice %arg18[%add3A_24, %dma_wait3A_53] : memref<10240x128xf32, #tpu.memory_space<vmem_shared>> -> memref<128x128xf32, #tpu.memory_space<vmem_shared>>
      tpu.wait_dma2 semaphore(%run_scoped3A : memref<!tpu.dma_semaphore, #tpu.memory_space<semaphore_mem>>) src(%arg16 : memref<128x128xf32, #tpu.memory_space<vmem>>) dst(%dma_wait3A_54 : memref<128x128xf32, #tpu.memory_space<vmem_shared>>)
      tpu.yield
    }) : () -> ()
    "tpu.region"() ({
      %run_scoped3A = tpu.sem_alloc : memref<!tpu.dma_semaphore, #tpu.memory_space<semaphore_mem>>
      %dma_start3A = arith.constant 0 : i32
      %dma_start3A_49 = tpu.memref_slice %arg19[%add3A_24, %dma_start3A] : memref<10240x16xf32, #tpu.memory_space<vmem_shared>> -> memref<128x16xf32, #tpu.memory_space<vmem_shared>>
      %dma_start3A_50 = arith.constant 0 : i32
      %dma_start3A_51 = tpu.memref_slice %arg19[%add3A_24, %dma_start3A_50] : memref<10240x16xf32, #tpu.memory_space<vmem_shared>> -> memref<128x16xf32, #tpu.memory_space<vmem_shared>>
      tpu.enqueue_dma source(%arg17 : memref<128x16xf32, #tpu.memory_space<vmem>>) target(%dma_start3A_51 : memref<128x16xf32, #tpu.memory_space<vmem_shared>>) target_semaphore(%run_scoped3A : memref<!tpu.dma_semaphore, #tpu.memory_space<semaphore_mem>>)
      %dma_wait3A = arith.constant 0 : i32
      %dma_wait3A_52 = tpu.memref_slice %arg19[%add3A_24, %dma_wait3A] : memref<10240x16xf32, #tpu.memory_space<vmem_shared>> -> memref<128x16xf32, #tpu.memory_space<vmem_shared>>
      %dma_wait3A_53 = arith.constant 0 : i32
      %dma_wait3A_54 = tpu.memref_slice %arg19[%add3A_24, %dma_wait3A_53] : memref<10240x16xf32, #tpu.memory_space<vmem_shared>> -> memref<128x16xf32, #tpu.memory_space<vmem_shared>>
      tpu.wait_dma2 semaphore(%run_scoped3A : memref<!tpu.dma_semaphore, #tpu.memory_space<semaphore_mem>>) src(%arg17 : memref<128x16xf32, #tpu.memory_space<vmem>>) dst(%dma_wait3A_54 : memref<128x16xf32, #tpu.memory_space<vmem_shared>>)
      tpu.yield
    }) : () -> ()
    %mul3A_25 = arith.constant 640 : i32
    %mul3A_26 = arith.muli %arg1, %mul3A_25 : i32
    %add3A_27 = arith.constant 512 : i32
    %add3A_28 = arith.addi %mul3A_26, %add3A_27 : i32
    "tpu.region"() ({
      %run_scoped3A = tpu.sem_alloc : memref<!tpu.dma_semaphore, #tpu.memory_space<semaphore_mem>>
      %dma_start3A = arith.constant 0 : i32
      %dma_start3A_49 = tpu.memref_slice %arg18[%add3A_28, %dma_start3A] : memref<10240x128xf32, #tpu.memory_space<vmem_shared>> -> memref<128x128xf32, #tpu.memory_space<vmem_shared>>
      %dma_start3A_50 = arith.constant 0 : i32
      %dma_start3A_51 = tpu.memref_slice %arg18[%add3A_28, %dma_start3A_50] : memref<10240x128xf32, #tpu.memory_space<vmem_shared>> -> memref<128x128xf32, #tpu.memory_space<vmem_shared>>
      tpu.enqueue_dma source(%arg16 : memref<128x128xf32, #tpu.memory_space<vmem>>) target(%dma_start3A_51 : memref<128x128xf32, #tpu.memory_space<vmem_shared>>) target_semaphore(%run_scoped3A : memref<!tpu.dma_semaphore, #tpu.memory_space<semaphore_mem>>)
      %dma_wait3A = arith.constant 0 : i32
      %dma_wait3A_52 = tpu.memref_slice %arg18[%add3A_28, %dma_wait3A] : memref<10240x128xf32, #tpu.memory_space<vmem_shared>> -> memref<128x128xf32, #tpu.memory_space<vmem_shared>>
      %dma_wait3A_53 = arith.constant 0 : i32
      %dma_wait3A_54 = tpu.memref_slice %arg18[%add3A_28, %dma_wait3A_53] : memref<10240x128xf32, #tpu.memory_space<vmem_shared>> -> memref<128x128xf32, #tpu.memory_space<vmem_shared>>
      tpu.wait_dma2 semaphore(%run_scoped3A : memref<!tpu.dma_semaphore, #tpu.memory_space<semaphore_mem>>) src(%arg16 : memref<128x128xf32, #tpu.memory_space<vmem>>) dst(%dma_wait3A_54 : memref<128x128xf32, #tpu.memory_space<vmem_shared>>)
      tpu.yield
    }) : () -> ()
    "tpu.region"() ({
      %run_scoped3A = tpu.sem_alloc : memref<!tpu.dma_semaphore, #tpu.memory_space<semaphore_mem>>
      %dma_start3A = arith.constant 0 : i32
      %dma_start3A_49 = tpu.memref_slice %arg19[%add3A_28, %dma_start3A] : memref<10240x16xf32, #tpu.memory_space<vmem_shared>> -> memref<128x16xf32, #tpu.memory_space<vmem_shared>>
      %dma_start3A_50 = arith.constant 0 : i32
      %dma_start3A_51 = tpu.memref_slice %arg19[%add3A_28, %dma_start3A_50] : memref<10240x16xf32, #tpu.memory_space<vmem_shared>> -> memref<128x16xf32, #tpu.memory_space<vmem_shared>>
      tpu.enqueue_dma source(%arg17 : memref<128x16xf32, #tpu.memory_space<vmem>>) target(%dma_start3A_51 : memref<128x16xf32, #tpu.memory_space<vmem_shared>>) target_semaphore(%run_scoped3A : memref<!tpu.dma_semaphore, #tpu.memory_space<semaphore_mem>>)
      %dma_wait3A = arith.constant 0 : i32
      %dma_wait3A_52 = tpu.memref_slice %arg19[%add3A_28, %dma_wait3A] : memref<10240x16xf32, #tpu.memory_space<vmem_shared>> -> memref<128x16xf32, #tpu.memory_space<vmem_shared>>
      %dma_wait3A_53 = arith.constant 0 : i32
      %dma_wait3A_54 = tpu.memref_slice %arg19[%add3A_28, %dma_wait3A_53] : memref<10240x16xf32, #tpu.memory_space<vmem_shared>> -> memref<128x16xf32, #tpu.memory_space<vmem_shared>>
      tpu.wait_dma2 semaphore(%run_scoped3A : memref<!tpu.dma_semaphore, #tpu.memory_space<semaphore_mem>>) src(%arg17 : memref<128x16xf32, #tpu.memory_space<vmem>>) dst(%dma_wait3A_54 : memref<128x16xf32, #tpu.memory_space<vmem_shared>>)
      tpu.yield
    }) : () -> ()
    %barrier3A = arith.constant 0 : index
    tpu.barrier barrier_id(%barrier3A)
    %eq3A = arith.constant 0 : i32
    %eq3A_29 = arith.cmpi eq, %arg0, %eq3A : i32
    %convert_element_type3A = arith.extui %eq3A_29 : i1 to i32
    %cond3A = arith.constant 0 : i32
    %cond3A_30 = arith.cmpi ne, %convert_element_type3A, %cond3A : i32
    scf.if %cond3A_30 {
      %scan3A_49 = arith.constant 0 : i32
      %scan3A_50 = arith.constant 0 : i32
      %scan3A_51 = arith.constant 125 : i32
      %scan3A_52 = arith.addi %scan3A_50, %scan3A_51 : i32
      %scan3A_53 = arith.constant 1 : i32
      scf.for %scan3A_55 = %scan3A_50 to %scan3A_52 step %scan3A_53  : i32 {
        %mul3A_56 = arith.constant 10000 : i32
        %mul3A_57 = arith.muli %arg1, %mul3A_56 : i32
        %mul3A_58 = arith.constant 80 : i32
        %mul3A_59 = arith.muli %scan3A_55, %mul3A_58 : i32
        %add3A_60 = arith.addi %mul3A_57, %mul3A_59 : i32
        "tpu.region"() ({
          %run_scoped3A = tpu.sem_alloc : memref<!tpu.dma_semaphore, #tpu.memory_space<semaphore_mem>>
          %dma_start3A_65 = tpu.memref_slice %arg6[%add3A_60] : memref<160000xi32, #tpu.memory_space<hbm>> -> memref<80xi32, #tpu.memory_space<hbm>>
          %dma_start3A_66 = tpu.memref_slice %arg6[%add3A_60] : memref<160000xi32, #tpu.memory_space<hbm>> -> memref<80xi32, #tpu.memory_space<hbm>>
          tpu.enqueue_dma source(%dma_start3A_66 : memref<80xi32, #tpu.memory_space<hbm>>) target(%arg12 : memref<80xi32, #tpu.memory_space<vmem>>) target_semaphore(%run_scoped3A : memref<!tpu.dma_semaphore, #tpu.memory_space<semaphore_mem>>)
          %dma_wait3A_67 = tpu.memref_slice %arg6[%add3A_60] : memref<160000xi32, #tpu.memory_space<hbm>> -> memref<80xi32, #tpu.memory_space<hbm>>
          %dma_wait3A_68 = tpu.memref_slice %arg6[%add3A_60] : memref<160000xi32, #tpu.memory_space<hbm>> -> memref<80xi32, #tpu.memory_space<hbm>>
          tpu.wait_dma2 semaphore(%run_scoped3A : memref<!tpu.dma_semaphore, #tpu.memory_space<semaphore_mem>>) src(%dma_wait3A_68 : memref<80xi32, #tpu.memory_space<hbm>>) dst(%arg12 : memref<80xi32, #tpu.memory_space<vmem>>)
          tpu.yield
        }) : () -> ()
        "tpu.region"() ({
          %run_scoped3A = tpu.sem_alloc : memref<!tpu.dma_semaphore, #tpu.memory_space<semaphore_mem>>
          %dma_start3A_65 = tpu.memref_slice %arg7[%add3A_60] : memref<160000xi32, #tpu.memory_space<hbm>> -> memref<80xi32, #tpu.memory_space<hbm>>
          %dma_start3A_66 = tpu.memref_slice %arg7[%add3A_60] : memref<160000xi32, #tpu.memory_space<hbm>> -> memref<80xi32, #tpu.memory_space<hbm>>
          tpu.enqueue_dma source(%dma_start3A_66 : memref<80xi32, #tpu.memory_space<hbm>>) target(%arg13 : memref<80xi32, #tpu.memory_space<vmem>>) target_semaphore(%run_scoped3A : memref<!tpu.dma_semaphore, #tpu.memory_space<semaphore_mem>>)
          %dma_wait3A_67 = tpu.memref_slice %arg7[%add3A_60] : memref<160000xi32, #tpu.memory_space<hbm>> -> memref<80xi32, #tpu.memory_space<hbm>>
          %dma_wait3A_68 = tpu.memref_slice %arg7[%add3A_60] : memref<160000xi32, #tpu.memory_space<hbm>> -> memref<80xi32, #tpu.memory_space<hbm>>
          tpu.wait_dma2 semaphore(%run_scoped3A : memref<!tpu.dma_semaphore, #tpu.memory_space<semaphore_mem>>) src(%dma_wait3A_68 : memref<80xi32, #tpu.memory_space<hbm>>) dst(%arg13 : memref<80xi32, #tpu.memory_space<vmem>>)
          tpu.yield
        }) : () -> ()
        %dma_start3A = arith.constant 0 : i32
        %dma_start3A_61 = arith.constant 0 : i32
        %dma_start3A_62 = tpu.memref_slice %arg2[%dma_start3A, %dma_start3A_61] : memref<10000x128xf32, #tpu.memory_space<hbm>> -> memref<10000x128xf32, #tpu.memory_space<hbm>>
        tpu.enqueue_indirect_dma source(%dma_start3A_62 : memref<10000x128xf32, #tpu.memory_space<hbm>>) target(%arg14 : memref<80x128xf32, #tpu.memory_space<vmem>>) offsets(%arg12 : memref<80xi32, #tpu.memory_space<vmem>>) semaphore(%arg20 : memref<!tpu.dma_semaphore, #tpu.memory_space<semaphore_mem>>)
        %dma_wait3A = arith.constant 0 : i32
        %dma_wait3A_63 = arith.constant 0 : i32
        %dma_wait3A_64 = tpu.memref_slice %arg2[%dma_wait3A, %dma_wait3A_63] : memref<10000x128xf32, #tpu.memory_space<hbm>> -> memref<10000x128xf32, #tpu.memory_space<hbm>>
        tpu.wait_indirect_dma semaphore(%arg20 : memref<!tpu.dma_semaphore, #tpu.memory_space<semaphore_mem>>) src(%dma_wait3A_64 : memref<10000x128xf32, #tpu.memory_space<hbm>>) dst(%arg14 : memref<80x128xf32, #tpu.memory_space<vmem>>)
        "tpu.region"() ({
          %run_scoped3A = tpu.sem_alloc : memref<!tpu.dma_semaphore, #tpu.memory_space<semaphore_mem>>
          %dma_start3A_65 = arith.constant 0 : i32
          %dma_start3A_66 = tpu.memref_slice %arg4[%add3A_60, %dma_start3A_65] : memref<160000x16xf32, #tpu.memory_space<hbm>> -> memref<80x16xf32, #tpu.memory_space<hbm>>
          %dma_start3A_67 = arith.constant 0 : i32
          %dma_start3A_68 = tpu.memref_slice %arg4[%add3A_60, %dma_start3A_67] : memref<160000x16xf32, #tpu.memory_space<hbm>> -> memref<80x16xf32, #tpu.memory_space<hbm>>
          tpu.enqueue_dma source(%dma_start3A_68 : memref<80x16xf32, #tpu.memory_space<hbm>>) target(%arg15 : memref<80x16xf32, #tpu.memory_space<vmem>>) target_semaphore(%run_scoped3A : memref<!tpu.dma_semaphore, #tpu.memory_space<semaphore_mem>>)
          %dma_wait3A_69 = arith.constant 0 : i32
          %dma_wait3A_70 = tpu.memref_slice %arg4[%add3A_60, %dma_wait3A_69] : memref<160000x16xf32, #tpu.memory_space<hbm>> -> memref<80x16xf32, #tpu.memory_space<hbm>>
          %dma_wait3A_71 = arith.constant 0 : i32
          %dma_wait3A_72 = tpu.memref_slice %arg4[%add3A_60, %dma_wait3A_71] : memref<160000x16xf32, #tpu.memory_space<hbm>> -> memref<80x16xf32, #tpu.memory_space<hbm>>
          tpu.wait_dma2 semaphore(%run_scoped3A : memref<!tpu.dma_semaphore, #tpu.memory_space<semaphore_mem>>) src(%dma_wait3A_72 : memref<80x16xf32, #tpu.memory_space<hbm>>) dst(%arg15 : memref<80x16xf32, #tpu.memory_space<vmem>>)
          tpu.yield
        }) : () -> ()
        "tpu.region"() ({
          %run_scoped3A = tpu.sem_alloc : memref<!tpu.dma_semaphore, #tpu.memory_space<semaphore_mem>>
          %dma_start3A_65 = arith.constant 0 : i32
          %dma_start3A_66 = arith.constant 0 : i32
          %dma_start3A_67 = tpu.memref_slice %arg18[%dma_start3A_65, %dma_start3A_66] : memref<10240x128xf32, #tpu.memory_space<vmem_shared>> -> memref<10240x128xf32, #tpu.memory_space<vmem_shared>>
          tpu.enqueue_indirect_dma source(%arg14 : memref<80x128xf32, #tpu.memory_space<vmem>>) target(%dma_start3A_67 : memref<10240x128xf32, #tpu.memory_space<vmem_shared>>) offsets(%arg13 : memref<80xi32, #tpu.memory_space<vmem>>) semaphore(%run_scoped3A : memref<!tpu.dma_semaphore, #tpu.memory_space<semaphore_mem>>) {add = true}
          %dma_wait3A_68 = arith.constant 0 : i32
          %dma_wait3A_69 = arith.constant 0 : i32
          %dma_wait3A_70 = tpu.memref_slice %arg18[%dma_wait3A_68, %dma_wait3A_69] : memref<10240x128xf32, #tpu.memory_space<vmem_shared>> -> memref<10240x128xf32, #tpu.memory_space<vmem_shared>>
          tpu.wait_indirect_dma semaphore(%run_scoped3A : memref<!tpu.dma_semaphore, #tpu.memory_space<semaphore_mem>>) src(%arg14 : memref<80x128xf32, #tpu.memory_space<vmem>>) dst(%dma_wait3A_70 : memref<10240x128xf32, #tpu.memory_space<vmem_shared>>)
          tpu.yield
        }) : () -> ()
        "tpu.region"() ({
          %run_scoped3A = tpu.sem_alloc : memref<!tpu.dma_semaphore, #tpu.memory_space<semaphore_mem>>
          %dma_start3A_65 = arith.constant 0 : i32
          %dma_start3A_66 = arith.constant 0 : i32
          %dma_start3A_67 = tpu.memref_slice %arg19[%dma_start3A_65, %dma_start3A_66] : memref<10240x16xf32, #tpu.memory_space<vmem_shared>> -> memref<10240x16xf32, #tpu.memory_space<vmem_shared>>
          tpu.enqueue_indirect_dma source(%arg15 : memref<80x16xf32, #tpu.memory_space<vmem>>) target(%dma_start3A_67 : memref<10240x16xf32, #tpu.memory_space<vmem_shared>>) offsets(%arg13 : memref<80xi32, #tpu.memory_space<vmem>>) semaphore(%run_scoped3A : memref<!tpu.dma_semaphore, #tpu.memory_space<semaphore_mem>>) {add = true}
          %dma_wait3A_68 = arith.constant 0 : i32
          %dma_wait3A_69 = arith.constant 0 : i32
          %dma_wait3A_70 = tpu.memref_slice %arg19[%dma_wait3A_68, %dma_wait3A_69] : memref<10240x16xf32, #tpu.memory_space<vmem_shared>> -> memref<10240x16xf32, #tpu.memory_space<vmem_shared>>
          tpu.wait_indirect_dma semaphore(%run_scoped3A : memref<!tpu.dma_semaphore, #tpu.memory_space<semaphore_mem>>) src(%arg15 : memref<80x16xf32, #tpu.memory_space<vmem>>) dst(%dma_wait3A_70 : memref<10240x16xf32, #tpu.memory_space<vmem_shared>>)
          tpu.yield
        }) : () -> ()
      }
      %scan3A_54 = arith.constant 125 : i32
    } else {
    }
    %eq3A_31 = arith.constant 1 : i32
    %eq3A_32 = arith.cmpi eq, %arg0, %eq3A_31 : i32
    %convert_element_type3A_33 = arith.extui %eq3A_32 : i1 to i32
    %cond3A_34 = arith.constant 0 : i32
    %cond3A_35 = arith.cmpi ne, %convert_element_type3A_33, %cond3A_34 : i32
    scf.if %cond3A_35 {
      %scan3A_49 = arith.constant 0 : i32
      %scan3A_50 = arith.constant 0 : i32
      %scan3A_51 = arith.constant 125 : i32
      %scan3A_52 = arith.addi %scan3A_50, %scan3A_51 : i32
      %scan3A_53 = arith.constant 1 : i32
      scf.for %scan3A_55 = %scan3A_50 to %scan3A_52 step %scan3A_53  : i32 {
        %mul3A_56 = arith.constant 10000 : i32
        %mul3A_57 = arith.muli %arg1, %mul3A_56 : i32
        %mul3A_58 = arith.constant 80 : i32
        %mul3A_59 = arith.muli %scan3A_55, %mul3A_58 : i32
        %add3A_60 = arith.addi %mul3A_57, %mul3A_59 : i32
        "tpu.region"() ({
          %run_scoped3A = tpu.sem_alloc : memref<!tpu.dma_semaphore, #tpu.memory_space<semaphore_mem>>
          %dma_start3A_65 = tpu.memref_slice %arg6[%add3A_60] : memref<160000xi32, #tpu.memory_space<hbm>> -> memref<80xi32, #tpu.memory_space<hbm>>
          %dma_start3A_66 = tpu.memref_slice %arg6[%add3A_60] : memref<160000xi32, #tpu.memory_space<hbm>> -> memref<80xi32, #tpu.memory_space<hbm>>
          tpu.enqueue_dma source(%dma_start3A_66 : memref<80xi32, #tpu.memory_space<hbm>>) target(%arg12 : memref<80xi32, #tpu.memory_space<vmem>>) target_semaphore(%run_scoped3A : memref<!tpu.dma_semaphore, #tpu.memory_space<semaphore_mem>>)
          %dma_wait3A_67 = tpu.memref_slice %arg6[%add3A_60] : memref<160000xi32, #tpu.memory_space<hbm>> -> memref<80xi32, #tpu.memory_space<hbm>>
          %dma_wait3A_68 = tpu.memref_slice %arg6[%add3A_60] : memref<160000xi32, #tpu.memory_space<hbm>> -> memref<80xi32, #tpu.memory_space<hbm>>
          tpu.wait_dma2 semaphore(%run_scoped3A : memref<!tpu.dma_semaphore, #tpu.memory_space<semaphore_mem>>) src(%dma_wait3A_68 : memref<80xi32, #tpu.memory_space<hbm>>) dst(%arg12 : memref<80xi32, #tpu.memory_space<vmem>>)
          tpu.yield
        }) : () -> ()
        "tpu.region"() ({
          %run_scoped3A = tpu.sem_alloc : memref<!tpu.dma_semaphore, #tpu.memory_space<semaphore_mem>>
          %dma_start3A_65 = tpu.memref_slice %arg7[%add3A_60] : memref<160000xi32, #tpu.memory_space<hbm>> -> memref<80xi32, #tpu.memory_space<hbm>>
          %dma_start3A_66 = tpu.memref_slice %arg7[%add3A_60] : memref<160000xi32, #tpu.memory_space<hbm>> -> memref<80xi32, #tpu.memory_space<hbm>>
          tpu.enqueue_dma source(%dma_start3A_66 : memref<80xi32, #tpu.memory_space<hbm>>) target(%arg13 : memref<80xi32, #tpu.memory_space<vmem>>) target_semaphore(%run_scoped3A : memref<!tpu.dma_semaphore, #tpu.memory_space<semaphore_mem>>)
          %dma_wait3A_67 = tpu.memref_slice %arg7[%add3A_60] : memref<160000xi32, #tpu.memory_space<hbm>> -> memref<80xi32, #tpu.memory_space<hbm>>
          %dma_wait3A_68 = tpu.memref_slice %arg7[%add3A_60] : memref<160000xi32, #tpu.memory_space<hbm>> -> memref<80xi32, #tpu.memory_space<hbm>>
          tpu.wait_dma2 semaphore(%run_scoped3A : memref<!tpu.dma_semaphore, #tpu.memory_space<semaphore_mem>>) src(%dma_wait3A_68 : memref<80xi32, #tpu.memory_space<hbm>>) dst(%arg13 : memref<80xi32, #tpu.memory_space<vmem>>)
          tpu.yield
        }) : () -> ()
        %dma_start3A = arith.constant 0 : i32
        %dma_start3A_61 = arith.constant 0 : i32
        %dma_start3A_62 = tpu.memref_slice %arg3[%dma_start3A, %dma_start3A_61] : memref<10000x128xf32, #tpu.memory_space<hbm>> -> memref<10000x128xf32, #tpu.memory_space<hbm>>
        tpu.enqueue_indirect_dma source(%dma_start3A_62 : memref<10000x128xf32, #tpu.memory_space<hbm>>) target(%arg14 : memref<80x128xf32, #tpu.memory_space<vmem>>) offsets(%arg12 : memref<80xi32, #tpu.memory_space<vmem>>) semaphore(%arg20 : memref<!tpu.dma_semaphore, #tpu.memory_space<semaphore_mem>>)
        %dma_wait3A = arith.constant 0 : i32
        %dma_wait3A_63 = arith.constant 0 : i32
        %dma_wait3A_64 = tpu.memref_slice %arg3[%dma_wait3A, %dma_wait3A_63] : memref<10000x128xf32, #tpu.memory_space<hbm>> -> memref<10000x128xf32, #tpu.memory_space<hbm>>
        tpu.wait_indirect_dma semaphore(%arg20 : memref<!tpu.dma_semaphore, #tpu.memory_space<semaphore_mem>>) src(%dma_wait3A_64 : memref<10000x128xf32, #tpu.memory_space<hbm>>) dst(%arg14 : memref<80x128xf32, #tpu.memory_space<vmem>>)
        "tpu.region"() ({
          %run_scoped3A = tpu.sem_alloc : memref<!tpu.dma_semaphore, #tpu.memory_space<semaphore_mem>>
          %dma_start3A_65 = arith.constant 0 : i32
          %dma_start3A_66 = tpu.memref_slice %arg5[%add3A_60, %dma_start3A_65] : memref<160000x16xf32, #tpu.memory_space<hbm>> -> memref<80x16xf32, #tpu.memory_space<hbm>>
          %dma_start3A_67 = arith.constant 0 : i32
          %dma_start3A_68 = tpu.memref_slice %arg5[%add3A_60, %dma_start3A_67] : memref<160000x16xf32, #tpu.memory_space<hbm>> -> memref<80x16xf32, #tpu.memory_space<hbm>>
          tpu.enqueue_dma source(%dma_start3A_68 : memref<80x16xf32, #tpu.memory_space<hbm>>) target(%arg15 : memref<80x16xf32, #tpu.memory_space<vmem>>) target_semaphore(%run_scoped3A : memref<!tpu.dma_semaphore, #tpu.memory_space<semaphore_mem>>)
          %dma_wait3A_69 = arith.constant 0 : i32
          %dma_wait3A_70 = tpu.memref_slice %arg5[%add3A_60, %dma_wait3A_69] : memref<160000x16xf32, #tpu.memory_space<hbm>> -> memref<80x16xf32, #tpu.memory_space<hbm>>
          %dma_wait3A_71 = arith.constant 0 : i32
          %dma_wait3A_72 = tpu.memref_slice %arg5[%add3A_60, %dma_wait3A_71] : memref<160000x16xf32, #tpu.memory_space<hbm>> -> memref<80x16xf32, #tpu.memory_space<hbm>>
          tpu.wait_dma2 semaphore(%run_scoped3A : memref<!tpu.dma_semaphore, #tpu.memory_space<semaphore_mem>>) src(%dma_wait3A_72 : memref<80x16xf32, #tpu.memory_space<hbm>>) dst(%arg15 : memref<80x16xf32, #tpu.memory_space<vmem>>)
          tpu.yield
        }) : () -> ()
        "tpu.region"() ({
          %run_scoped3A = tpu.sem_alloc : memref<!tpu.dma_semaphore, #tpu.memory_space<semaphore_mem>>
          %dma_start3A_65 = arith.constant 0 : i32
          %dma_start3A_66 = arith.constant 0 : i32
          %dma_start3A_67 = tpu.memref_slice %arg18[%dma_start3A_65, %dma_start3A_66] : memref<10240x128xf32, #tpu.memory_space<vmem_shared>> -> memref<10240x128xf32, #tpu.memory_space<vmem_shared>>
          tpu.enqueue_indirect_dma source(%arg14 : memref<80x128xf32, #tpu.memory_space<vmem>>) target(%dma_start3A_67 : memref<10240x128xf32, #tpu.memory_space<vmem_shared>>) offsets(%arg13 : memref<80xi32, #tpu.memory_space<vmem>>) semaphore(%run_scoped3A : memref<!tpu.dma_semaphore, #tpu.memory_space<semaphore_mem>>) {add = true}
          %dma_wait3A_68 = arith.constant 0 : i32
          %dma_wait3A_69 = arith.constant 0 : i32
          %dma_wait3A_70 = tpu.memref_slice %arg18[%dma_wait3A_68, %dma_wait3A_69] : memref<10240x128xf32, #tpu.memory_space<vmem_shared>> -> memref<10240x128xf32, #tpu.memory_space<vmem_shared>>
          tpu.wait_indirect_dma semaphore(%run_scoped3A : memref<!tpu.dma_semaphore, #tpu.memory_space<semaphore_mem>>) src(%arg14 : memref<80x128xf32, #tpu.memory_space<vmem>>) dst(%dma_wait3A_70 : memref<10240x128xf32, #tpu.memory_space<vmem_shared>>)
          tpu.yield
        }) : () -> ()
        "tpu.region"() ({
          %run_scoped3A = tpu.sem_alloc : memref<!tpu.dma_semaphore, #tpu.memory_space<semaphore_mem>>
          %dma_start3A_65 = arith.constant 0 : i32
          %dma_start3A_66 = arith.constant 0 : i32
          %dma_start3A_67 = tpu.memref_slice %arg19[%dma_start3A_65, %dma_start3A_66] : memref<10240x16xf32, #tpu.memory_space<vmem_shared>> -> memref<10240x16xf32, #tpu.memory_space<vmem_shared>>
          tpu.enqueue_indirect_dma source(%arg15 : memref<80x16xf32, #tpu.memory_space<vmem>>) target(%dma_start3A_67 : memref<10240x16xf32, #tpu.memory_space<vmem_shared>>) offsets(%arg13 : memref<80xi32, #tpu.memory_space<vmem>>) semaphore(%run_scoped3A : memref<!tpu.dma_semaphore, #tpu.memory_space<semaphore_mem>>) {add = true}
          %dma_wait3A_68 = arith.constant 0 : i32
          %dma_wait3A_69 = arith.constant 0 : i32
          %dma_wait3A_70 = tpu.memref_slice %arg19[%dma_wait3A_68, %dma_wait3A_69] : memref<10240x16xf32, #tpu.memory_space<vmem_shared>> -> memref<10240x16xf32, #tpu.memory_space<vmem_shared>>
          tpu.wait_indirect_dma semaphore(%run_scoped3A : memref<!tpu.dma_semaphore, #tpu.memory_space<semaphore_mem>>) src(%arg15 : memref<80x16xf32, #tpu.memory_space<vmem>>) dst(%dma_wait3A_70 : memref<10240x16xf32, #tpu.memory_space<vmem_shared>>)
          tpu.yield
        }) : () -> ()
      }
      %scan3A_54 = arith.constant 125 : i32
    } else {
    }
    %barrier3A_36 = arith.constant 0 : index
    tpu.barrier barrier_id(%barrier3A_36)
    %mul3A_37 = arith.constant 640 : i32
    %mul3A_38 = arith.muli %arg1, %mul3A_37 : i32
    %eq3A_39 = arith.constant 0 : i32
    %eq3A_40 = arith.cmpi eq, %arg0, %eq3A_39 : i32
    %convert_element_type3A_41 = arith.extui %eq3A_40 : i1 to i32
    %cond3A_42 = arith.constant 0 : i32
    %cond3A_43 = arith.cmpi ne, %convert_element_type3A_41, %cond3A_42 : i32
    scf.if %cond3A_43 {
      "tpu.region"() ({
        %run_scoped3A = tpu.sem_alloc : memref<!tpu.dma_semaphore, #tpu.memory_space<semaphore_mem>>
        %dma_start3A = arith.constant 0 : i32
        %dma_start3A_49 = tpu.memref_slice %arg8[%mul3A_38, %dma_start3A] : memref<10240x128xf32, #tpu.memory_space<hbm>> -> memref<640x128xf32, #tpu.memory_space<hbm>>
        %dma_start3A_50 = arith.constant 0 : i32
        %dma_start3A_51 = tpu.memref_slice %arg18[%mul3A_38, %dma_start3A_50] : memref<10240x128xf32, #tpu.memory_space<vmem_shared>> -> memref<640x128xf32, #tpu.memory_space<vmem_shared>>
        tpu.enqueue_dma source(%dma_start3A_51 : memref<640x128xf32, #tpu.memory_space<vmem_shared>>) target(%dma_start3A_49 : memref<640x128xf32, #tpu.memory_space<hbm>>) target_semaphore(%run_scoped3A : memref<!tpu.dma_semaphore, #tpu.memory_space<semaphore_mem>>)
        %dma_wait3A = arith.constant 0 : i32
        %dma_wait3A_52 = tpu.memref_slice %arg8[%mul3A_38, %dma_wait3A] : memref<10240x128xf32, #tpu.memory_space<hbm>> -> memref<640x128xf32, #tpu.memory_space<hbm>>
        %dma_wait3A_53 = arith.constant 0 : i32
        %dma_wait3A_54 = tpu.memref_slice %arg18[%mul3A_38, %dma_wait3A_53] : memref<10240x128xf32, #tpu.memory_space<vmem_shared>> -> memref<640x128xf32, #tpu.memory_space<vmem_shared>>
        tpu.wait_dma2 semaphore(%run_scoped3A : memref<!tpu.dma_semaphore, #tpu.memory_space<semaphore_mem>>) src(%dma_wait3A_54 : memref<640x128xf32, #tpu.memory_space<vmem_shared>>) dst(%dma_wait3A_52 : memref<640x128xf32, #tpu.memory_space<hbm>>)
        tpu.yield
      }) : () -> ()
      "tpu.region"() ({
        %run_scoped3A = tpu.sem_alloc : memref<!tpu.dma_semaphore, #tpu.memory_space<semaphore_mem>>
        %dma_start3A = arith.constant 0 : i32
        %dma_start3A_49 = tpu.memref_slice %arg10[%mul3A_38, %dma_start3A] : memref<10240x16xf32, #tpu.memory_space<hbm>> -> memref<640x16xf32, #tpu.memory_space<hbm>>
        %dma_start3A_50 = arith.constant 0 : i32
        %dma_start3A_51 = tpu.memref_slice %arg19[%mul3A_38, %dma_start3A_50] : memref<10240x16xf32, #tpu.memory_space<vmem_shared>> -> memref<640x16xf32, #tpu.memory_space<vmem_shared>>
        tpu.enqueue_dma source(%dma_start3A_51 : memref<640x16xf32, #tpu.memory_space<vmem_shared>>) target(%dma_start3A_49 : memref<640x16xf32, #tpu.memory_space<hbm>>) target_semaphore(%run_scoped3A : memref<!tpu.dma_semaphore, #tpu.memory_space<semaphore_mem>>)
        %dma_wait3A = arith.constant 0 : i32
        %dma_wait3A_52 = tpu.memref_slice %arg10[%mul3A_38, %dma_wait3A] : memref<10240x16xf32, #tpu.memory_space<hbm>> -> memref<640x16xf32, #tpu.memory_space<hbm>>
        %dma_wait3A_53 = arith.constant 0 : i32
        %dma_wait3A_54 = tpu.memref_slice %arg19[%mul3A_38, %dma_wait3A_53] : memref<10240x16xf32, #tpu.memory_space<vmem_shared>> -> memref<640x16xf32, #tpu.memory_space<vmem_shared>>
        tpu.wait_dma2 semaphore(%run_scoped3A : memref<!tpu.dma_semaphore, #tpu.memory_space<semaphore_mem>>) src(%dma_wait3A_54 : memref<640x16xf32, #tpu.memory_space<vmem_shared>>) dst(%dma_wait3A_52 : memref<640x16xf32, #tpu.memory_space<hbm>>)
        tpu.yield
      }) : () -> ()
    } else {
    }
    %eq3A_44 = arith.constant 1 : i32
    %eq3A_45 = arith.cmpi eq, %arg0, %eq3A_44 : i32
    %convert_element_type3A_46 = arith.extui %eq3A_45 : i1 to i32
    %cond3A_47 = arith.constant 0 : i32
    %cond3A_48 = arith.cmpi ne, %convert_element_type3A_46, %cond3A_47 : i32
    scf.if %cond3A_48 {
      "tpu.region"() ({
        %run_scoped3A = tpu.sem_alloc : memref<!tpu.dma_semaphore, #tpu.memory_space<semaphore_mem>>
        %dma_start3A = arith.constant 0 : i32
        %dma_start3A_49 = tpu.memref_slice %arg9[%mul3A_38, %dma_start3A] : memref<10240x128xf32, #tpu.memory_space<hbm>> -> memref<640x128xf32, #tpu.memory_space<hbm>>
        %dma_start3A_50 = arith.constant 0 : i32
        %dma_start3A_51 = tpu.memref_slice %arg18[%mul3A_38, %dma_start3A_50] : memref<10240x128xf32, #tpu.memory_space<vmem_shared>> -> memref<640x128xf32, #tpu.memory_space<vmem_shared>>
        tpu.enqueue_dma source(%dma_start3A_51 : memref<640x128xf32, #tpu.memory_space<vmem_shared>>) target(%dma_start3A_49 : memref<640x128xf32, #tpu.memory_space<hbm>>) target_semaphore(%run_scoped3A : memref<!tpu.dma_semaphore, #tpu.memory_space<semaphore_mem>>)
        %dma_wait3A = arith.constant 0 : i32
        %dma_wait3A_52 = tpu.memref_slice %arg9[%mul3A_38, %dma_wait3A] : memref<10240x128xf32, #tpu.memory_space<hbm>> -> memref<640x128xf32, #tpu.memory_space<hbm>>
        %dma_wait3A_53 = arith.constant 0 : i32
        %dma_wait3A_54 = tpu.memref_slice %arg18[%mul3A_38, %dma_wait3A_53] : memref<10240x128xf32, #tpu.memory_space<vmem_shared>> -> memref<640x128xf32, #tpu.memory_space<vmem_shared>>
        tpu.wait_dma2 semaphore(%run_scoped3A : memref<!tpu.dma_semaphore, #tpu.memory_space<semaphore_mem>>) src(%dma_wait3A_54 : memref<640x128xf32, #tpu.memory_space<vmem_shared>>) dst(%dma_wait3A_52 : memref<640x128xf32, #tpu.memory_space<hbm>>)
        tpu.yield
      }) : () -> ()
      "tpu.region"() ({
        %run_scoped3A = tpu.sem_alloc : memref<!tpu.dma_semaphore, #tpu.memory_space<semaphore_mem>>
        %dma_start3A = arith.constant 0 : i32
        %dma_start3A_49 = tpu.memref_slice %arg11[%mul3A_38, %dma_start3A] : memref<10240x16xf32, #tpu.memory_space<hbm>> -> memref<640x16xf32, #tpu.memory_space<hbm>>
        %dma_start3A_50 = arith.constant 0 : i32
        %dma_start3A_51 = tpu.memref_slice %arg19[%mul3A_38, %dma_start3A_50] : memref<10240x16xf32, #tpu.memory_space<vmem_shared>> -> memref<640x16xf32, #tpu.memory_space<vmem_shared>>
        tpu.enqueue_dma source(%dma_start3A_51 : memref<640x16xf32, #tpu.memory_space<vmem_shared>>) target(%dma_start3A_49 : memref<640x16xf32, #tpu.memory_space<hbm>>) target_semaphore(%run_scoped3A : memref<!tpu.dma_semaphore, #tpu.memory_space<semaphore_mem>>)
        %dma_wait3A = arith.constant 0 : i32
        %dma_wait3A_52 = tpu.memref_slice %arg11[%mul3A_38, %dma_wait3A] : memref<10240x16xf32, #tpu.memory_space<hbm>> -> memref<640x16xf32, #tpu.memory_space<hbm>>
        %dma_wait3A_53 = arith.constant 0 : i32
        %dma_wait3A_54 = tpu.memref_slice %arg19[%mul3A_38, %dma_wait3A_53] : memref<10240x16xf32, #tpu.memory_space<vmem_shared>> -> memref<640x16xf32, #tpu.memory_space<vmem_shared>>
        tpu.wait_dma2 semaphore(%run_scoped3A : memref<!tpu.dma_semaphore, #tpu.memory_space<semaphore_mem>>) src(%dma_wait3A_54 : memref<640x16xf32, #tpu.memory_space<vmem_shared>>) dst(%dma_wait3A_52 : memref<640x16xf32, #tpu.memory_space<hbm>>)
        tpu.yield
      }) : () -> ()
    } else {
    }
    return
  }
}

module attributes {stable_mosaic.version = 14 : i64} {
  func.func @_tc_body(%arg0: i32, %arg1: memref<1000x256xf32, #tpu.memory_space<vmem>>, %arg2: memref<1000x128xf32, #tpu.memory_space<vmem>>, %arg3: memref<1000x128xf32, #tpu.memory_space<vmem>>, %arg4: memref<1000x16xf32, #tpu.memory_space<vmem>>, %arg5: memref<1000x16xf32, #tpu.memory_space<vmem>>, %arg6: memref<256x256xf32, #tpu.memory_space<vmem>>, %arg7: memref<128x256xf32, #tpu.memory_space<vmem>>, %arg8: memref<128x256xf32, #tpu.memory_space<vmem>>, %arg9: memref<16x256xf32, #tpu.memory_space<vmem>>, %arg10: memref<16x256xf32, #tpu.memory_space<vmem>>, %arg11: memref<1x256xf32, #tpu.memory_space<vmem>>, %arg12: memref<1x256xf32, #tpu.memory_space<vmem>>, %arg13: memref<1x256xf32, #tpu.memory_space<vmem>>, %arg14: memref<1000x256xf32, #tpu.memory_space<vmem>>) attributes {dimension_semantics = [#tpu.dimension_semantics<arbitrary>], iteration_bounds = array<i64: 10>, scalar_prefetch = 0 : i64, scratch_operands = 0 : i64, tpu.core_type = #tpu.core_type<tc>, window_params = [{transform_indices = @transform_0, window_bounds = array<i64: 1000, 256>}, {transform_indices = @transform_1, window_bounds = array<i64: 1000, 128>}, {transform_indices = @transform_2, window_bounds = array<i64: 1000, 128>}, {transform_indices = @transform_3, window_bounds = array<i64: 1000, 16>}, {transform_indices = @transform_4, window_bounds = array<i64: 1000, 16>}, {pipeline_mode = #tpu.pipeline_mode<synchronous>, transform_indices = @transform_5, window_bounds = array<i64: 256, 256>}, {pipeline_mode = #tpu.pipeline_mode<synchronous>, transform_indices = @transform_6, window_bounds = array<i64: 128, 256>}, {pipeline_mode = #tpu.pipeline_mode<synchronous>, transform_indices = @transform_7, window_bounds = array<i64: 128, 256>}, {pipeline_mode = #tpu.pipeline_mode<synchronous>, transform_indices = @transform_8, window_bounds = array<i64: 16, 256>}, {pipeline_mode = #tpu.pipeline_mode<synchronous>, transform_indices = @transform_9, window_bounds = array<i64: 16, 256>}, {pipeline_mode = #tpu.pipeline_mode<synchronous>, transform_indices = @transform_10, window_bounds = array<i64: 1, 256>}, {pipeline_mode = #tpu.pipeline_mode<synchronous>, transform_indices = @transform_11, window_bounds = array<i64: 1, 256>}, {pipeline_mode = #tpu.pipeline_mode<synchronous>, transform_indices = @transform_12, window_bounds = array<i64: 1, 256>}, {transform_indices = @transform_13, window_bounds = array<i64: 1000, 256>}]} {
    %get3A = arith.constant 0 : index
    %get3A_0 = arith.constant 0 : index
    %get3A_1 = vector.load %arg2[%get3A, %get3A_0] : memref<1000x128xf32, #tpu.memory_space<vmem>>, vector<1000x128xf32>
    %get3A_2 = arith.constant 0 : index
    %get3A_3 = arith.constant 0 : index
    %get3A_4 = vector.load %arg7[%get3A_2, %get3A_3] : memref<128x256xf32, #tpu.memory_space<vmem>>, vector<128x256xf32>
    %dot_general3A = arith.constant dense<0.000000e+00> : vector<1000x256xf32>
    %dot_general3A_5 = tpu.matmul %get3A_1, %get3A_4, %dot_general3A {dimension_numbers = #tpu.dot_dimension_numbers<[1], [0], [0], [1], [0, 0, 1, 1], [], []>, precision = #tpu.contract_precision<fp32>, transpose_lhs_hint = false} : vector<1000x128xf32>, vector<128x256xf32>, vector<1000x256xf32> -> vector<1000x256xf32>
    %get3A_6 = arith.constant 0 : index
    %get3A_7 = arith.constant 0 : index
    %get3A_8 = vector.load %arg3[%get3A_6, %get3A_7] : memref<1000x128xf32, #tpu.memory_space<vmem>>, vector<1000x128xf32>
    %get3A_9 = arith.constant 0 : index
    %get3A_10 = arith.constant 0 : index
    %get3A_11 = vector.load %arg8[%get3A_9, %get3A_10] : memref<128x256xf32, #tpu.memory_space<vmem>>, vector<128x256xf32>
    %dot_general3A_12 = arith.constant dense<0.000000e+00> : vector<1000x256xf32>
    %dot_general3A_13 = tpu.matmul %get3A_8, %get3A_11, %dot_general3A_12 {dimension_numbers = #tpu.dot_dimension_numbers<[1], [0], [0], [1], [0, 0, 1, 1], [], []>, precision = #tpu.contract_precision<fp32>, transpose_lhs_hint = false} : vector<1000x128xf32>, vector<128x256xf32>, vector<1000x256xf32> -> vector<1000x256xf32>
    %add3A = arith.addf %dot_general3A_5, %dot_general3A_13 : vector<1000x256xf32>
    %get3A_14 = arith.constant 0 : index
    %get3A_15 = arith.constant 0 : index
    %get3A_16 = vector.load %arg4[%get3A_14, %get3A_15] : memref<1000x16xf32, #tpu.memory_space<vmem>>, vector<1000x16xf32>
    %get3A_17 = arith.constant 0 : index
    %get3A_18 = arith.constant 0 : index
    %get3A_19 = vector.load %arg9[%get3A_17, %get3A_18] : memref<16x256xf32, #tpu.memory_space<vmem>>, vector<16x256xf32>
    %dot_general3A_20 = arith.constant dense<0.000000e+00> : vector<1000x256xf32>
    %dot_general3A_21 = tpu.matmul %get3A_16, %get3A_19, %dot_general3A_20 {dimension_numbers = #tpu.dot_dimension_numbers<[1], [0], [0], [1], [0, 0, 1, 1], [], []>, precision = #tpu.contract_precision<fp32>, transpose_lhs_hint = false} : vector<1000x16xf32>, vector<16x256xf32>, vector<1000x256xf32> -> vector<1000x256xf32>
    %add3A_22 = arith.addf %add3A, %dot_general3A_21 : vector<1000x256xf32>
    %get3A_23 = arith.constant 0 : index
    %get3A_24 = arith.constant 0 : index
    %get3A_25 = vector.load %arg5[%get3A_23, %get3A_24] : memref<1000x16xf32, #tpu.memory_space<vmem>>, vector<1000x16xf32>
    %get3A_26 = arith.constant 0 : index
    %get3A_27 = arith.constant 0 : index
    %get3A_28 = vector.load %arg10[%get3A_26, %get3A_27] : memref<16x256xf32, #tpu.memory_space<vmem>>, vector<16x256xf32>
    %dot_general3A_29 = arith.constant dense<0.000000e+00> : vector<1000x256xf32>
    %dot_general3A_30 = tpu.matmul %get3A_25, %get3A_28, %dot_general3A_29 {dimension_numbers = #tpu.dot_dimension_numbers<[1], [0], [0], [1], [0, 0, 1, 1], [], []>, precision = #tpu.contract_precision<fp32>, transpose_lhs_hint = false} : vector<1000x16xf32>, vector<16x256xf32>, vector<1000x256xf32> -> vector<1000x256xf32>
    %add3A_31 = arith.addf %add3A_22, %dot_general3A_30 : vector<1000x256xf32>
    %get3A_32 = arith.constant 0 : index
    %get3A_33 = arith.constant 0 : index
    %get3A_34 = vector.load %arg4[%get3A_32, %get3A_33] : memref<1000x16xf32, #tpu.memory_space<vmem>>, vector<1000x16xf32>
    %slice3A = vector.extract_strided_slice %get3A_34 {offsets = [0, 8], sizes = [1000, 1], strides = [1, 1]} : vector<1000x16xf32> to vector<1000x1xf32>
    %max3A = arith.constant 1.000000e+00 : f32
    %max3A_35 = vector.broadcast %max3A : f32 to vector<1000x1xf32>
    %max3A_36 = arith.maximumf %slice3A, %max3A_35 : vector<1000x1xf32>
    %div3A = vector.broadcast %max3A_36 : vector<1000x1xf32> to vector<1000x256xf32>
    %div3A_37 = arith.divf %add3A_31, %div3A : vector<1000x256xf32>
    %get3A_38 = arith.constant 0 : index
    %get3A_39 = arith.constant 0 : index
    %get3A_40 = vector.load %arg1[%get3A_38, %get3A_39] : memref<1000x256xf32, #tpu.memory_space<vmem>>, vector<1000x256xf32>
    %get3A_41 = arith.constant 0 : index
    %get3A_42 = arith.constant 0 : index
    %get3A_43 = vector.load %arg6[%get3A_41, %get3A_42] : memref<256x256xf32, #tpu.memory_space<vmem>>, vector<256x256xf32>
    %dot_general3A_44 = arith.constant dense<0.000000e+00> : vector<1000x256xf32>
    %dot_general3A_45 = tpu.matmul %get3A_40, %get3A_43, %dot_general3A_44 {dimension_numbers = #tpu.dot_dimension_numbers<[1], [0], [0], [1], [0, 0, 1, 1], [], []>, precision = #tpu.contract_precision<fp32>, transpose_lhs_hint = false} : vector<1000x256xf32>, vector<256x256xf32>, vector<1000x256xf32> -> vector<1000x256xf32>
    %get3A_46 = arith.constant 0 : index
    %get3A_47 = arith.constant 0 : index
    %get3A_48 = vector.load %arg11[%get3A_46, %get3A_47] : memref<1x256xf32, #tpu.memory_space<vmem>>, vector<1x256xf32>
    %add3A_49 = vector.broadcast %get3A_48 : vector<1x256xf32> to vector<1000x256xf32>
    %add3A_50 = arith.addf %dot_general3A_45, %add3A_49 : vector<1000x256xf32>
    %add3A_51 = arith.addf %add3A_50, %div3A_37 : vector<1000x256xf32>
    %reduce_sum3A = arith.constant dense<0.000000e+00> : vector<1000xf32>
    %reduce_sum3A_52 = vector.multi_reduction <add>, %add3A_51, %reduce_sum3A [1] : vector<1000x256xf32> to vector<1000xf32>
    %broadcast_in_dim3A = vector.shape_cast %reduce_sum3A_52 : vector<1000xf32> to vector<1000x1xf32>
    %div3A_53 = arith.constant 2.560000e+02 : f32
    %div3A_54 = vector.broadcast %div3A_53 : f32 to vector<1000x1xf32>
    %div3A_55 = arith.divf %broadcast_in_dim3A, %div3A_54 : vector<1000x1xf32>
    %sub3A = vector.broadcast %div3A_55 : vector<1000x1xf32> to vector<1000x256xf32>
    %sub3A_56 = arith.subf %add3A_51, %sub3A : vector<1000x256xf32>
    %mul3A = arith.mulf %sub3A_56, %sub3A_56 : vector<1000x256xf32>
    %reduce_sum3A_57 = arith.constant dense<0.000000e+00> : vector<1000xf32>
    %reduce_sum3A_58 = vector.multi_reduction <add>, %mul3A, %reduce_sum3A_57 [1] : vector<1000x256xf32> to vector<1000xf32>
    %broadcast_in_dim3A_59 = vector.shape_cast %reduce_sum3A_58 : vector<1000xf32> to vector<1000x1xf32>
    %div3A_60 = arith.constant 2.560000e+02 : f32
    %div3A_61 = vector.broadcast %div3A_60 : f32 to vector<1000x1xf32>
    %div3A_62 = arith.divf %broadcast_in_dim3A_59, %div3A_61 : vector<1000x1xf32>
    %add3A_63 = arith.constant 9.99999974E-6 : f32
    %add3A_64 = vector.broadcast %add3A_63 : f32 to vector<1000x1xf32>
    %add3A_65 = arith.addf %div3A_62, %add3A_64 : vector<1000x1xf32>
    %rsqrt3A = math.rsqrt %add3A_65 : vector<1000x1xf32>
    %mul3A_66 = vector.broadcast %rsqrt3A : vector<1000x1xf32> to vector<1000x256xf32>
    %mul3A_67 = arith.mulf %sub3A_56, %mul3A_66 : vector<1000x256xf32>
    %get3A_68 = arith.constant 0 : index
    %get3A_69 = arith.constant 0 : index
    %get3A_70 = vector.load %arg12[%get3A_68, %get3A_69] : memref<1x256xf32, #tpu.memory_space<vmem>>, vector<1x256xf32>
    %mul3A_71 = vector.broadcast %get3A_70 : vector<1x256xf32> to vector<1000x256xf32>
    %mul3A_72 = arith.mulf %mul3A_67, %mul3A_71 : vector<1000x256xf32>
    %get3A_73 = arith.constant 0 : index
    %get3A_74 = arith.constant 0 : index
    %get3A_75 = vector.load %arg13[%get3A_73, %get3A_74] : memref<1x256xf32, #tpu.memory_space<vmem>>, vector<1x256xf32>
    %add3A_76 = vector.broadcast %get3A_75 : vector<1x256xf32> to vector<1000x256xf32>
    %add3A_77 = arith.addf %mul3A_72, %add3A_76 : vector<1000x256xf32>
    %max3A_78 = arith.constant 0.000000e+00 : f32
    %max3A_79 = vector.broadcast %max3A_78 : f32 to vector<1000x256xf32>
    %max3A_80 = arith.maximumf %add3A_77, %max3A_79 : vector<1000x256xf32>
    %swap3A = arith.constant 0 : index
    %swap3A_81 = arith.constant 0 : index
    %swap3A_82 = vector.load %arg14[%swap3A, %swap3A_81] : memref<1000x256xf32, #tpu.memory_space<vmem>>, vector<1000x256xf32>
    tpu.vector_store %arg14[%swap3A, %swap3A_81], %max3A_80 {strides = array<i32>} : memref<1000x256xf32, #tpu.memory_space<vmem>>, vector<1000x256xf32>,
    return
  }
  func.func @transform_0(%arg0: i32) -> (i32, i32) {
    %c0_i32 = arith.constant 0 : i32
    %c0_i32_0 = arith.constant 0 : i32
    return %arg0, %c0_i32 : i32, i32
  }
  func.func @transform_1(%arg0: i32) -> (i32, i32) {
    %c0_i32 = arith.constant 0 : i32
    %c0_i32_0 = arith.constant 0 : i32
    return %arg0, %c0_i32 : i32, i32
  }
  func.func @transform_2(%arg0: i32) -> (i32, i32) {
    %c0_i32 = arith.constant 0 : i32
    %c0_i32_0 = arith.constant 0 : i32
    return %arg0, %c0_i32 : i32, i32
  }
  func.func @transform_3(%arg0: i32) -> (i32, i32) {
    %c0_i32 = arith.constant 0 : i32
    %c0_i32_0 = arith.constant 0 : i32
    return %arg0, %c0_i32 : i32, i32
  }
  func.func @transform_4(%arg0: i32) -> (i32, i32) {
    %c0_i32 = arith.constant 0 : i32
    %c0_i32_0 = arith.constant 0 : i32
    return %arg0, %c0_i32 : i32, i32
  }
  func.func @transform_5(%arg0: i32) -> (i32, i32) {
    %c0_i32 = arith.constant 0 : i32
    %c0_i32_0 = arith.constant 0 : i32
    %c0_i32_1 = arith.constant 0 : i32
    return %c0_i32, %c0_i32_0 : i32, i32
  }
  func.func @transform_6(%arg0: i32) -> (i32, i32) {
    %c0_i32 = arith.constant 0 : i32
    %c0_i32_0 = arith.constant 0 : i32
    %c0_i32_1 = arith.constant 0 : i32
    return %c0_i32, %c0_i32_0 : i32, i32
  }
  func.func @transform_7(%arg0: i32) -> (i32, i32) {
    %c0_i32 = arith.constant 0 : i32
    %c0_i32_0 = arith.constant 0 : i32
    %c0_i32_1 = arith.constant 0 : i32
    return %c0_i32, %c0_i32_0 : i32, i32
  }
  func.func @transform_8(%arg0: i32) -> (i32, i32) {
    %c0_i32 = arith.constant 0 : i32
    %c0_i32_0 = arith.constant 0 : i32
    %c0_i32_1 = arith.constant 0 : i32
    return %c0_i32, %c0_i32_0 : i32, i32
  }
  func.func @transform_9(%arg0: i32) -> (i32, i32) {
    %c0_i32 = arith.constant 0 : i32
    %c0_i32_0 = arith.constant 0 : i32
    %c0_i32_1 = arith.constant 0 : i32
    return %c0_i32, %c0_i32_0 : i32, i32
  }
  func.func @transform_10(%arg0: i32) -> (i32, i32) {
    %c0_i32 = arith.constant 0 : i32
    %c0_i32_0 = arith.constant 0 : i32
    %c0_i32_1 = arith.constant 0 : i32
    return %c0_i32, %c0_i32_0 : i32, i32
  }
  func.func @transform_11(%arg0: i32) -> (i32, i32) {
    %c0_i32 = arith.constant 0 : i32
    %c0_i32_0 = arith.constant 0 : i32
    %c0_i32_1 = arith.constant 0 : i32
    return %c0_i32, %c0_i32_0 : i32, i32
  }
  func.func @transform_12(%arg0: i32) -> (i32, i32) {
    %c0_i32 = arith.constant 0 : i32
    %c0_i32_0 = arith.constant 0 : i32
    %c0_i32_1 = arith.constant 0 : i32
    return %c0_i32, %c0_i32_0 : i32, i32
  }
  func.func @transform_13(%arg0: i32) -> (i32, i32) {
    %c0_i32 = arith.constant 0 : i32
    %c0_i32_0 = arith.constant 0 : i32
    return %arg0, %c0_i32 : i32, i32
  }
}

</mosaic_0001>

<sc_bundles>
// kernel: _run.4.cloned.1.call-start
scs
__scs_entry_jumppad:
0x0: {  	(pc) =	sbr.rel $0x88, $3  }
0x1: {  	(tag) =	ssettag $0x0;
	lr =	simm.s32 $0x1  }
0x2: {  	[smem:$0x3F98] =	sst lr;
	_ =	strace $0xD0000000  }
0x3: {  	_ = 	snop  }
0x4: {  	_ = 	snop  }
0x5: {  	_ = 	snop  }
0x6: {  	_ = 	snop  }
0x7: {  	_ = 	snop  }
__scs_overlays_trampoline_lowered:
0x8: {  	[smem:$0x3FA7] =	sst s0  }
0x9: {  	[smem:$0x3FA8] =	sst s1  }
0xa: {  	[smem:$0x3FA9] =	sst s2  }
0xb: {  	[smem:$0x3FAA] =	sst s3  }
0xc: {  	[smem:$0x3FAB] =	sst s4  }
0xd: {  	[smem:$0x3FAC] =	sst s5  }
0xe: {  	[smem:$0x3FAD] =	sst s6  }
0xf: {  	[smem:$0x3FAE] =	sst s7  }
0x10: {  	[smem:$0x3FAF] =	sst s8  }
0x11: {  	[smem:$0x3FB0] =	sst s9;
	s0 =	simm.s32 @!p0 $0x0  }
0x12: {  	s1 =	sld [smem:$0x3F96];
	s0 =	simm.s32 @p0 $0x1  }
0x13: {  	[smem:$0x3FB1] =	sst s0;
	s0 =	simm.s32 @!p1 $0x0  }
0x14: {  	s2 =	sld [smem:$0x3F95];
	s0 =	simm.s32 @p1 $0x1  }
0x15: {  	[smem:$0x3FB2] =	sst s0;
	s0 =	simm.s32 @!p2 $0x0  }
0x16: {  	s3 =	sld [smem:$0x3FDB];
	s0 =	simm.s32 @p2 $0x1  }
0x17: {  	s4 =	simm.s32 $0x1BF5;
	[smem:$0x3FB4] =	sst s0  }
0x18: {  	s0 =	sld [smem:$0x3F97];
	_ =	swait.ge [sflag:s4], $0x0  }
0x19: {  	s7 =	sld [smem:$0x3F98]  }
0x1a: {  	s8 =	sadd.s32 $0xFFFFE003, lr  }
0x1b: {  	s9 =	sadd.s32 $0xFFFFFEF7, lr;
	s5 =	simm.s32 $0xFFFFFFFF;
	p2 =	slt.u32 s8, $0xFFFFF086  }
0x1c: {  	p1 =	slt.u32 s9, $0xF7A;
	s5 =	simm.s32 @!p2 $0x0  }
0x1d: {  	s5 =	simm.s32 @p1 $0x1;
	p0 =	seq.s32 s7, s2  }
0x1e: {  	s7 =	smul.u32 @!p0 $0xF7A, s2;
	p2 =	seq.s32 @!p0 s5, $0x0  }
0x1f: {  	s9 =	smul.u32 $0xF7A, s1;
	s8 =	simm.s32 @!p0 $0x1BF5;
	p2 =	por !p2, p0  }
0x20: {  	[sflag:s8] =	ssyncset.s32 @!p0 $0xFFFFF086;
	s6 =	sadd.s32 @!p0 s3, s7;
	s7 =	simm.s32 @!p0 $0x108  }
0x21: {  	s3 =	sadd.s32 s3, s9;
	s6 =	sadd.s32 @!p0 $0x88, s6;
	s7 =	simm.s32 @p2 $0x1082  }
0x22: {  	[simem:s7], [sflag:s8] =	dma.local @!p0 [hbm:s6], $0xF7A  }
0x23: {  	s9 =	sor.u32 $0xD0000000, s2;
	s6 =	simm.s32 $0x108;
	_ =	swait.ge @!p0 [sflag:s8], $0x0  }
0x24: {  	s3 =	sadd.s32 $0x88, s3;
	s6 =	simm.s32 @!p1 $0x1082;
	[sflag:s4] =	ssyncset.s32 $0xFFFFF086  }
0x25: {  	[simem:s6], [sflag:s4] =	dma.local [hbm:s3], $0xF7A  }
0x26: {  	[smem:$0x3F98] =	sst s1;
	(tag) =	ssettag s2;
	_ =	strace s9  }
0x27: {  	s1 =	sld [smem:$0x3FA8]  }
0x28: {  	s2 =	sld [smem:$0x3FA9]  }
0x29: {  	s4 =	sld [smem:$0x3FAB]  }
0x2a: {  	p0 =	seq.s32 s5, $0x0;
	s5 =	sld [smem:$0x3FAC]  }
0x2b: {  	s6 =	sld [smem:$0x3FAD]  }
0x2c: {  	s7 =	sld [smem:$0x3FAE]  }
0x2d: {  	s3 =	simm.s32 $0x108;
	s8 =	sld [smem:$0x3FAF]  }
0x2e: {  	s3 =	simm.s32 @!p0 $0x1082;
	s9 =	sld [smem:$0x3FB0]  }
0x2f: {  	lr =	sadd.s32 s0, s3;
	s0 =	sld [smem:$0x3FA7]  }
0x30: {  	s3 =	sld [smem:$0x3FAA]  }
0x31: {  	[smem:$0x3FB3] =	sst s10  }
0x32: {  	s10 =	sld [smem:$0x3FB1];
	_ =	sdelay $0x3  }
0x33: {  	p0 =	seq.s32 s10, $0x1;
	s10 =	sld [smem:$0x3FB3];
	_ =	sdelay $0x3  }
0x34: {  	[smem:$0x3FB3] =	sst s10  }
0x35: {  	s10 =	sld [smem:$0x3FB2];
	_ =	sdelay $0x3  }
0x36: {  	p1 =	seq.s32 s10, $0x1;
	s10 =	sld [smem:$0x3FB3];
	_ =	sdelay $0x3  }
0x37: {  	[smem:$0x3FB3] =	sst s10  }
0x38: {  	s10 =	sld [smem:$0x3FB4]  }
0x39: {  	_ = 	snop;
	(pc) =	sbr.ind lr, $3  }
0x3a: {  	_ = 	snop  }
0x3b: {  	_ = 	snop  }
0x3c: {  	p2 =	seq.s32 s10, $0x1;
	s10 =	sld [smem:$0x3FB3]  }
0x3d: {  	_ =	shalt  }
0x3e: {  	_ =	shalt  }
0x3f: {  	_ =	shalt  }
0x40: {  	_ =	shalt  }
0x41: {  	_ =	shalt  }
0x42: {  	_ =	shalt  }
0x43: {  	_ =	shalt  }
0x44: {  	_ =	shalt  }
0x45: {  	_ =	shalt  }
0x46: {  	_ =	shalt  }
0x47: {  	_ =	shalt  }
0x48: {  	_ =	shalt  }
0x49: {  	_ =	shalt  }
0x4a: {  	_ =	shalt  }
0x4b: {  	_ =	shalt  }
0x4c: {  	_ =	shalt  }
0x4d: {  	_ =	shalt  }
0x4e: {  	_ =	shalt  }
0x4f: {  	_ =	shalt  }
0x50: {  	_ =	shalt  }
0x51: {  	_ =	shalt  }
0x52: {  	_ =	shalt  }
0x53: {  	_ =	shalt  }
0x54: {  	_ =	shalt  }
0x55: {  	_ =	shalt  }
0x56: {  	_ =	shalt  }
0x57: {  	_ =	shalt  }
0x58: {  	_ =	shalt  }
0x59: {  	_ =	shalt  }
0x5a: {  	_ =	shalt  }
0x5b: {  	_ =	shalt  }
0x5c: {  	_ =	shalt  }
0x5d: {  	_ =	shalt  }
0x5e: {  	_ =	shalt  }
0x5f: {  	_ =	shalt  }
0x60: {  	_ =	shalt  }
0x61: {  	_ =	shalt  }
0x62: {  	_ =	shalt  }
0x63: {  	_ =	shalt  }
0x64: {  	_ =	shalt  }
0x65: {  	_ =	shalt  }
0x66: {  	_ =	shalt  }
0x67: {  	_ =	shalt  }
0x68: {  	_ =	shalt  }
0x69: {  	_ =	shalt  }
0x6a: {  	_ =	shalt  }
0x6b: {  	_ =	shalt  }
0x6c: {  	_ =	shalt  }
0x6d: {  	_ =	shalt  }
0x6e: {  	_ =	shalt  }
0x6f: {  	_ =	shalt  }
0x70: {  	_ =	shalt  }
0x71: {  	_ =	shalt  }
0x72: {  	_ =	shalt  }
0x73: {  	_ =	shalt  }
0x74: {  	_ =	shalt  }
0x75: {  	_ =	shalt  }
0x76: {  	_ =	shalt  }
0x77: {  	_ =	shalt  }
0x78: {  	_ =	shalt  }
0x79: {  	_ =	shalt  }
0x7a: {  	_ =	shalt  }
0x7b: {  	_ =	shalt  }
0x7c: {  	_ =	shalt  }
0x7d: {  	_ =	shalt  }
0x7e: {  	_ =	shalt  }
0x7f: {  	_ =	shalt  }
0x80: {  	_ =	shalt  }
0x81: {  	_ =	shalt  }
0x82: {  	_ =	shalt  }
0x83: {  	_ =	shalt  }
0x84: {  	_ =	shalt  }
0x85: {  	_ =	shalt  }
0x86: {  	_ =	shalt  }
0x87: {  	_ =	shalt  }
.Lfunc_end0:
.L_simem_size_0:
called_computation_lowered:
.L_overlay_start_0:
0x88: {  	s2 =	sld [smem:$0x3FD9]  }
0x89: {  	s3 =	sld [smem:$0x3FFE];
	_ =	sdelay $0x1  }
0x8a: {  	s1 =	srdreg.scid  }
0x8b: {  	s0 =	sand.u32 $0x1, s1  }
0x8c: {  	s17 =	sshll.u32 s0, $0xA;
	s2 =	sadd.s32 s3, s2  }
0x8d: {  	s2 =	sadd.s32 s2, s17  }
0x8e: {  	[smem:$0x3FBF] =	sst s2  }
0x8f: {  	_ = 	snop  }
0x90: {  	s2 =	sld [smem:$0x3FD0];
	(tm) =	ssettm $0x1  }
0x91: {  	s18 =	sld [smem:$0x3FFB];
	_ =	sdelay $0x3  }
0x92: {  	_ =	strace s18  }
0x93: {  	s3 =	sld [smem:$0x3FFC];
	_ =	sdelay $0x3  }
0x94: {  	_ =	strace s3  }
0x95: {  	s3 =	sld [smem:$0x3FFD];
	_ =	sdelay $0x3  }
0x96: {  	_ =	strace s3  }
0x97: {  	_ =	strace $0x8FFFFFFF  }
0x98: {  	s19 =	sld [smem:$0x3FDB];
	_ =	sdelay $0x1  }
0x99: {  	s4 =	simm.s32 $_scs_section_size  }
0x9a: {  	s5 =	simm.s32 $_size__tile_overlayer_lowered;
	s6 =	simm.s32 $_tile_overlayer_lowered  }
0x9b: {  	s22 =	simm.s32 $0x1BFF;
	s21 =	sshll.u32 s6, $0x1;
	s3 =	sadd.s32 s4, s19  }
0x9c: {  	s7 =	simm.s32 $0x0;
	s20 =	sshll.u32 s5, $0x1;
	s5 =	sadd.s32 s21, s3  }
0x9d: {  	[timem:s7], [sflag:s22] =	dma.local [hbm:s5], s20  }
0x9e: {  	_ =	swait.ge [sflag:s22], s20  }
0x9f: {  	s4 =	ssub.s32 $0x0, s20;
	[sflag:s22] =	ssyncset.done $0x0  }
0xa0: {  	[sflag:s22] =	ssyncadd.s32 s4;
	_ =	sdelay $0x1  }
0xa1: {  	s23 =	simm.s32 $0x1B8B  }
0xa2: {  	_ =	swait.ge [sflag:s23], $0x1  }
0xa3: {  	[sflag:s23] =	ssyncset.done $0x0  }
0xa4: {  	s25 =	simm.s32 $0x1B8E;
	s24 =	sld [smem:$0x3FFE];
	[sflag:s23] =	ssyncadd.s32 $0xFFFFFFFF  }
0xa5: {  	s26 =	simm.s32 $execute0_lowered;
	[smem:$0x3FD2] =	sst s25  }
0xa6: {  	s5 =	sshll.u32 s26, $0x1;
	_ =	strace $0x80000046;
	[dreg:$0x1] =	wrdreg $0xFFFFFFFF  }
0xa7: {  	s28 =	simm.s32 $_size_execute0_lowered;
	s3 =	sadd.s32 s3, s5;
	[dreg:$0x0] =	wrdreg $0x0  }
0xa8: {  	s5 =	sshll.u32 s28, $0x1;
	[dreg:$0x2] =	wrdreg s3  }
0xa9: {  	[dreg:$0x3] =	wrdreg s5  }
0xaa: {  	[dreg:$0x4] =	wrdreg $0xC0  }
0xab: {  	_ =	task [dreg:s7], $0x5FFFF  }
0xac: {  	[dreg:$0x1] =	wrdreg $0xFFFFFFFF  }
0xad: {  	[dreg:$0x0] =	wrdreg $0x60  }
0xae: {  	[dreg:$0x2] =	wrdreg s24  }
0xaf: {  	[dreg:$0x3] =	wrdreg s2  }
0xb0: {  	[dreg:$0x4] =	wrdreg $0x75A00  }
0xb1: {  	[dreg:$0x5] =	wrdreg $0x1B5A00  }
0xb2: {  	[dreg:$0x6] =	wrdreg $0x9  }
0xb3: {  	_ =	task.clear_ibuf [dreg:s7], $0x7FFFF;
	_ =	strace $0x90000046  }
0xb4: {  	s29 =	simm.s32 $0x9;
	_ =	strace $0x80000048  }
0xb5: {  	_ =	swait.ge [sflag:s29], $0x1  }
0xb6: {  	[sflag:s29] =	ssyncadd.s32 $0xFFFFFFFF  }
0xb7: {  	_ =	strace $0x90000048  }
0xb8: {  	_ =	sfence  }
0xb9: {  	s30 =	sld [smem:$0x0];
	_ =	sdelay $0x2  }
0xba: {  	s31 =	sshll.u32 s1, $0xD;
	s1 =	sshrl.u32 s1, $0x2  }
0xbb: {  	s3 =	sand.u32 $0x4000, s31;
	s1 =	sadd.s32 s1, s30  }
0xbc: {  	s0 =	sor.u32 s3, s0;
	s1 =	sshll.u32 s1, $0x11  }
0xbd: {  	s0 =	sor.u32 s1, s0  }
0xbe: {  	s0 =	sadd.s32 $0x8F2B, s0  }
0xbf: {  	[sflag:s0] =	ssyncadd.remote.s32 $0x1  }
0xc0: {  	_ =	sfence.sel $0xFFFF  }
0xc1: {  	[dreg:$0x0] =	wrdreg $0xFFFFFFFF;
	(pc) =	sbr.abs _section_cstart, $3  }
0xc2: {  	[dreg:$0x1] =	wrdreg $0xFFFFFFFF  }
0xc3: {  	_ =	task.clear_ibuf [dreg:s7], $0x2FFFF;
	_ =	strace $0x9FFFFFFF  }
0xc4: {  	(tm) =	ssettm $0x7FFFFFFF  }
0xc5: {  	_ =	shalt  }
tec
execute0_lowered:
.L_overlay_start_1:
0x0: {  	(tag) =	ssettag $0x1  }
0x1: {  	s0 =	rddreg [dreg:$0x0]  }
0x2: {  	s1 =	rddreg [dreg:$0x1]  }
0x3: {  	s2 =	rddreg [dreg:$0x2]  }
0x4: {  	s3 =	rddreg [dreg:$0x3];
	s4 =	simm.s32 $0x0  }
0x5: {  	s14 =	stileid.u32;
	s9 =	srdreg.scid;
	s29 =	simm.s32 $0x2DA0  }
0x6: {  	s30 =	simm.s32 $0x2;
	s31 =	simm.s32 $0x6DA0;
	s7 =	smul.u32 $0x4E20, s14  }
0x7: {  	[smem:$0x7FF] =	sst s4;
	s8 =	smul.u32 $0x4E2, s14;
	s5 =	sadd.s32 $0x78000, s0  }
0x8: {  	s6 =	sadd.s32 $0x50E00, s0;
	s9 =	sand.u32 $0x1, s9;
	s11 =	sadd.s32 $0xB3200, s0  }
0x9: {  	s13 =	sadd.s32 $0xDB200, s0;
	_ =	strace $0x80000047;
	[dreg:$0x5] =	wrdreg s11  }
0xa: {  	s12 =	smul.u32 $0x280, s14;
	s15 =	sadd.s32 $0xAE200, s0;
	[dreg:$0x6] =	wrdreg s13  }
0xb: {  	s21 =	smul.u32 $0x14000, s14;
	s26 =	ssub.s32 $0x2, s9;
	[dreg:$0x7] =	wrdreg s15  }
0xc: {  	s13 =	smul.u32 $0x2800, s14;
	p0 =	sne.s32 s9, $0x0;
	s9 =	simm.s32 $0x28A0  }
0xd: {  	s10 =	sadd.s32 s7, s0;
	s8 =	sadd.s32 s8, s0;
	s16 =	sshrl.u32 s26, $0x1  }
0xe: {  	s0 =	sadd.s32 $0xA9200, s0;
	s11 =	sadd.s32 s21, s2;
	s17 =	sadd.s32 $0x80, s12  }
0xf: {  	s1 =	sadd.s32 s7, s1;
	s25 =	sadd.s32 $0x200, s12;
	s21 =	sshrl.u32 s21, $0x3  }
0x10: {  	[dreg:$0x8] =	wrdreg s0;
	s0 =	ssub.s32 s26, s16;
	s18 =	sshll.u32 s17, $0x7  }
0x11: {  	s14 =	sshll.u32 s17, $0x4;
	s16 =	sadd.s32 $0x100, s12;
	[dreg:$0xd] =	wrdreg s1  }
0x12: {  	s26 =	sshll.u32 s25, $0x7;
	s7 =	sshll.u32 s25, $0x4;
	s25 =	sadd.s32 $0x2C00, s10  }
0x13: {  	s28 =	sadd.s32 $0xA4200, s8;
	s10 =	simm.s32 $0x0;
	s15 =	sadd.s32 s18, s2  }
0x14: {  	s14 =	sadd.s32 s14, s3;
	s19 =	sshll.u32 s16, $0x7;
	[dreg:$0x9] =	wrdreg s15  }
0x15: {  	s20 =	sshll.u32 s16, $0x4;
	s18 =	sadd.s32 $0x180, s12;
	[dreg:$0xa] =	wrdreg s14  }
0x16: {  	s14 =	sadd.s32 s19, s2;
	s22 =	sadd.s32 s20, s3;
	s23 =	sshll.u32 s18, $0x7  }
.Ltmp0:
0x17: {  	s24 =	sshll.u32 s18, $0x4;
	s19 =	sadd.s32 s26, s2;
	(pc) =	sbr.rel .LBB2_1-.Ltmp0, $4  }
0x18: {  	s20 =	sadd.s32 s7, s3;
	s26 =	sadd.s32 $0x9F200, s8;
	[dreg:$0xb] =	wrdreg s14  }
0x19: {  	s7 =	simm.s32 $0xA0;
	s8 =	simm.s32 $0x1;
	[dreg:$0xc] =	wrdreg s22  }
0x1a: {  	s17 =	sadd.s32 s23, s2;
	s18 =	sadd.s32 s24, s3;
	s22 =	sadd.s32 s13, s3  }
0x1b: {  	v0 =	vimm.f32 $0.0e+00;
	s23 =	sshrl.u32 s13, $0x3;
	s24 =	smax.u32 s0, $0x1;
	s0 =	simm.s32 $0x50  }
.LBB2_11:
0x1c: {  	s13 =	sadd.s32 s12, s28;
	[sflag:s30] =	ssyncadd.s32 $0xFFFFFB00  }
0x1d: {  	[tilespmem:s4], [sflag:$0x2] =	stream.linear.gather [hbm4b:s13+s4], $0x50, $0x38;
	[tilespmem:$0x1DDA0] =	vst v63  }
0x1e: {  	_ =	swait.ge [sflag:s30], $0x50  }
0x1f: {  	[sflag:s30] =	ssyncset.done $0x0  }
0x20: {  	s16 =	sadd.s32 s12, s26;
	[sflag:s30] =	ssyncadd.s32 $0xFFFFFFB0  }
0x21: {  	[tilespmem:s0], [sflag:$0x2] =	stream.linear.gather [hbm4b:s16+s4], $0x50, $0x38;
	[tilespmem:$0x1DDA0] =	vst v63  }
0x22: {  	_ =	swait.ge [sflag:s30], $0x50  }
0x23: {  	[sflag:s30] =	ssyncset.done $0x0  }
0x24: {  	[sflag:s30] =	ssyncadd.s32 $0xFFFFFFB0  }
0x25: {  	[tilespmem:s7], [sflag:$0x1] =	stream.indirect.gather [hbm4b:s6+s0], $0x80, s4, s0, $0xb8;
	[tilespmem:$0x1DDA0] =	vst v63  }
0x26: {  	_ =	swait.ge [sflag:s8], $0x2800  }
0x27: {  	[sflag:s8] =	ssyncset.done $0x0  }
0x28: {  	[sflag:s8] =	ssyncadd.s32 $0xFFFFD800  }
0x29: {  	[tilespmem:s9], [sflag:$0x2] =	stream.linear.gather [hbm4b:s1+s4], $0x500, $0x38;
	[tilespmem:$0x1DDA0] =	vst v63  }
0x2a: {  	_ =	swait.ge [sflag:s30], $0x500  }
0x2b: {  	[sflag:s30] =	ssyncset.done $0x0  }
0x2c: {  	[sflag:s30] =	ssyncadd.s32 $0xFFFFFB00  }
0x2d: {  	[spmem:s2] =	stream.indirect.scatter.add.f32 [tilespmem:s7], [sflag:$0x2], $0x80, s0, s0, $0xb8;
	[tilespmem:$0x1DDA0] =	vst v63  }
0x2e: {  	_ =	swait.ge [sflag:s30], $0x2800  }
0x2f: {  	[sflag:s30] =	ssyncset.done $0x0  }
0x30: {  	[sflag:s30] =	ssyncadd.s32 $0xFFFFD800  }
0x31: {  	[spmem:s3] =	stream.indirect.scatter.add.f32 [tilespmem:s9], [sflag:$0x2], $0x10, s0, s0, $0xb8;
	[tilespmem:$0x1DDA0] =	vst v63  }
0x32: {  	_ =	swait.ge [sflag:s30], $0x500  }
0x33: {  	[sflag:s30] =	ssyncset.done $0x0;
	s12 =	rddreg [dreg:$0x6]  }
0x34: {  	s1 =	rddreg [dreg:$0x8];
	[sflag:s30] =	ssyncadd.s32 $0xFFFFFB00  }
.LBB2_12:
0x35: {  	s13 =	stileid.u32  }
0x36: {  	s12 =	sadd.s32 s12, s21;
	s13 =	sshll.u32 s13, $0x6  }
0x37: {  	[bflag:$0x0] =	sbarrier.arrive $0xFFFF;
	s14 =	sshrl.u32 s11, $0x3;
	s13 =	sor.u32 $0x1C02, s13  }
0x38: {  	[hbm:s12], [sflag:s13] =	dma.local [spmem:s14], $0x2800  }
0x39: {  	s10 =	sadd.s32 $0x1, s10;
	_ =	swait.ge [sflag:s30], $0x2800  }
0x3a: {  	s1 =	sadd.s32 s1, s23;
	p1 =	sne.s32 s10, s24;
	[sflag:s30] =	ssyncset.done $0x0  }
.Ltmp1:
0x3b: {  	s16 =	sshrl.u32 s22, $0x3;
	[sflag:s30] =	ssyncadd.s32 $0xFFFFD800;
	(pc) =	sbr.rel @!p1 .LBB2_13-.Ltmp1, $4  }
0x3c: {  	[hbm:s1], [sflag:s13] =	dma.local [spmem:s16], $0x500  }
0x3d: {  	_ =	swait.ge [sflag:s30], $0x500  }
0x3e: {  	[sflag:s30] =	ssyncset.done $0x0  }
0x3f: {  	[sflag:s30] =	ssyncadd.s32 $0xFFFFFB00  }
.LBB2_1:
0x40: {  	s1 =	simm.s32 $0x0;
	s12 =	simm.s32 $0x0  }
.LBB2_2:
0x41: {  	p1 =	sne.s32 s12, $0xFFC0  }
.Ltmp2:
0x42: {  	_ = 	snop;
	(pc) =	sbr.rel @p1 .LBB2_2-.Ltmp2, $4  }
0x43: {  	s13 =	sand.u32 $0xFE00, s12  }
0x44: {  	s14 =	sand.u32 $0x70, s1;
	s13 =	sshrl.u32 s13, $0x2  }
0x45: {  	s13 =	sor.u32 s14, s13  }
0x46: {  	s1 =	sadd.s32 $0x10, s1;
	s12 =	sadd.s32 $0x40, s12;
	[tilespmem:s13+$0x2DA0] =	vst v0  }
0x47: {  	s1 =	simm.s32 $0x40;
	s12 =	simm.s32 $0x0  }
.LBB2_4:
0x48: {  	p1 =	sne.s32 s1, $0x1FC0;
	[tilespmem:s12+$0x6DA0] =	vst v0;
	s12 =	smov.u32 s1;
	s1 =	sadd.s32 $0x40, s1  }
.Ltmp3:
0x49: {  	(pc) =	sbr.rel @p1 .LBB2_4-.Ltmp3, $2  }
0x4a: {  	_ =	sdelay $0x2  }
0x4b: {  	s12 =	sshra.s32 s12, $0x2  }
0x4c: {  	[tilespmem:s12+$0x6DA0] =	vst v0  }
0x4d: {  	[spmem:s11] =	stream.linear.scatter [tilespmem:s29], [sflag:$0x2], $0x4000, $0x38;
	[tilespmem:$0x1DDA0] =	vst v63  }
0x4e: {  	_ =	swait.ge [sflag:s30], $0x4000  }
0x4f: {  	[sflag:s30] =	ssyncset.done $0x0  }
0x50: {  	[sflag:s30] =	ssyncadd.s32 $0xFFFFC000  }
0x51: {  	[spmem:s22] =	stream.linear.scatter [tilespmem:s31], [sflag:$0x2], $0x800, $0x38;
	[tilespmem:$0x1DDA0] =	vst v63  }
0x52: {  	_ =	swait.ge [sflag:s30], $0x800  }
0x53: {  	[sflag:s30] =	ssyncset.done $0x0  }
0x54: {  	s1 =	rddreg [dreg:$0x9];
	[sflag:s30] =	ssyncadd.s32 $0xFFFFF800  }
0x55: {  	[spmem:s1] =	stream.linear.scatter [tilespmem:s29], [sflag:$0x2], $0x4000, $0x38;
	[tilespmem:$0x1DDA0] =	vst v63  }
0x56: {  	_ =	swait.ge [sflag:s30], $0x4000  }
0x57: {  	[sflag:s30] =	ssyncset.done $0x0  }
0x58: {  	s14 =	rddreg [dreg:$0xa];
	[sflag:s30] =	ssyncadd.s32 $0xFFFFC000  }
0x59: {  	[spmem:s14] =	stream.linear.scatter [tilespmem:s31], [sflag:$0x2], $0x800, $0x38;
	[tilespmem:$0x1DDA0] =	vst v63  }
0x5a: {  	_ =	swait.ge [sflag:s30], $0x800  }
0x5b: {  	[sflag:s30] =	ssyncset.done $0x0  }
0x5c: {  	s15 =	rddreg [dreg:$0xb];
	[sflag:s30] =	ssyncadd.s32 $0xFFFFF800  }
0x5d: {  	[spmem:s15] =	stream.linear.scatter [tilespmem:s29], [sflag:$0x2], $0x4000, $0x38;
	[tilespmem:$0x1DDA0] =	vst v63  }
0x5e: {  	_ =	swait.ge [sflag:s30], $0x4000  }
0x5f: {  	[sflag:s30] =	ssyncset.done $0x0  }
0x60: {  	s16 =	rddreg [dreg:$0xc];
	[sflag:s30] =	ssyncadd.s32 $0xFFFFC000  }
0x61: {  	[spmem:s16] =	stream.linear.scatter [tilespmem:s31], [sflag:$0x2], $0x800, $0x38;
	[tilespmem:$0x1DDA0] =	vst v63  }
0x62: {  	_ =	swait.ge [sflag:s30], $0x800  }
0x63: {  	[sflag:s30] =	ssyncset.done $0x0  }
0x64: {  	[sflag:s30] =	ssyncadd.s32 $0xFFFFF800  }
0x65: {  	[spmem:s17] =	stream.linear.scatter [tilespmem:s29], [sflag:$0x2], $0x4000, $0x38;
	[tilespmem:$0x1DDA0] =	vst v63  }
0x66: {  	_ =	swait.ge [sflag:s30], $0x4000  }
0x67: {  	[sflag:s30] =	ssyncset.done $0x0  }
0x68: {  	[sflag:s30] =	ssyncadd.s32 $0xFFFFC000  }
0x69: {  	[spmem:s18] =	stream.linear.scatter [tilespmem:s31], [sflag:$0x2], $0x800, $0x38;
	[tilespmem:$0x1DDA0] =	vst v63  }
0x6a: {  	_ =	swait.ge [sflag:s30], $0x800  }
0x6b: {  	[sflag:s30] =	ssyncset.done $0x0  }
0x6c: {  	[sflag:s30] =	ssyncadd.s32 $0xFFFFF800  }
0x6d: {  	[spmem:s19] =	stream.linear.scatter [tilespmem:s29], [sflag:$0x2], $0x4000, $0x38;
	[tilespmem:$0x1DDA0] =	vst v63  }
0x6e: {  	_ =	swait.ge [sflag:s30], $0x4000  }
0x6f: {  	[sflag:s30] =	ssyncset.done $0x0  }
0x70: {  	[sflag:s30] =	ssyncadd.s32 $0xFFFFC000  }
0x71: {  	[spmem:s20] =	stream.linear.scatter [tilespmem:s31], [sflag:$0x2], $0x800, $0x38;
	[tilespmem:$0x1DDA0] =	vst v63  }
.Ltmp4:
0x72: {  	_ =	swait.ge [sflag:s30], $0x800;
	(pc) =	sbr.rel @p0 .LBB2_9-.Ltmp4, $4  }
0x73: {  	[sflag:s30] =	ssyncset.done $0x0  }
0x74: {  	[sflag:s30] =	ssyncadd.s32 $0xFFFFF800  }
0x75: {  	[bflag:$0x0] =	sbarrier.arrive $0xFFFF  }
0x76: {  	s1 =	sadd.s32 $0x0, s28  }
0x77: {  	[tilespmem:s4], [sflag:$0x2] =	stream.linear.gather [hbm4b:s1+s4], $0x50, $0x38;
	[tilespmem:$0x1DDA0] =	vst v63  }
0x78: {  	_ =	swait.ge [sflag:s30], $0x50  }
0x79: {  	[sflag:s30] =	ssyncset.done $0x0  }
0x7a: {  	s15 =	sadd.s32 $0x0, s26;
	[sflag:s30] =	ssyncadd.s32 $0xFFFFFFB0  }
0x7b: {  	[tilespmem:s0], [sflag:$0x2] =	stream.linear.gather [hbm4b:s15+s4], $0x50, $0x38;
	[tilespmem:$0x1DDA0] =	vst v63  }
0x7c: {  	_ =	swait.ge [sflag:s30], $0x50  }
0x7d: {  	[sflag:s30] =	ssyncset.done $0x0  }
0x7e: {  	[sflag:s30] =	ssyncadd.s32 $0xFFFFFFB0  }
0x7f: {  	[tilespmem:s7], [sflag:$0x1] =	stream.indirect.gather [hbm4b:s5+s0], $0x80, s4, s0, $0xb8;
	[tilespmem:$0x1DDA0] =	vst v63  }
0x80: {  	_ =	swait.ge [sflag:s8], $0x2800  }
0x81: {  	[sflag:s8] =	ssyncset.done $0x0  }
0x82: {  	s16 =	rddreg [dreg:$0xd];
	[sflag:s8] =	ssyncadd.s32 $0xFFFFD800  }
0x83: {  	[tilespmem:s9], [sflag:$0x2] =	stream.linear.gather [hbm4b:s16+s4], $0x500, $0x38;
	[tilespmem:$0x1DDA0] =	vst v63  }
0x84: {  	_ =	swait.ge [sflag:s30], $0x500  }
0x85: {  	[sflag:s30] =	ssyncset.done $0x0  }
0x86: {  	[sflag:s30] =	ssyncadd.s32 $0xFFFFFB00  }
0x87: {  	[spmem:s2] =	stream.indirect.scatter.add.f32 [tilespmem:s7], [sflag:$0x2], $0x80, s0, s0, $0xb8;
	[tilespmem:$0x1DDA0] =	vst v63  }
0x88: {  	_ =	swait.ge [sflag:s30], $0x2800  }
0x89: {  	[sflag:s30] =	ssyncset.done $0x0  }
0x8a: {  	[sflag:s30] =	ssyncadd.s32 $0xFFFFD800  }
0x8b: {  	[spmem:s3] =	stream.indirect.scatter.add.f32 [tilespmem:s9], [sflag:$0x2], $0x10, s0, s0, $0xb8;
	[tilespmem:$0x1DDA0] =	vst v63  }
0x8c: {  	s12 =	simm.s32 $0xA;
	_ =	swait.ge [sflag:s30], $0x500  }
0x8d: {  	s13 =	simm.s32 $0x14;
	s1 =	sadd.s32 $0xA0, s16;
	[sflag:s30] =	ssyncset.done $0x0  }
.LBB2_7:
0x8e: {  	s14 =	sadd.s32 s12, s28  }
0x8f: {  	[sflag:s30] =	ssyncadd.s32 $0xFFFFFB00;
	s15 =	smov.u32 s13;
	s16 =	sadd.s32 $0xA, s13  }
0x90: {  	[tilespmem:s4], [sflag:$0x2] =	stream.linear.gather [hbm4b:s14+s4], $0x50, $0x38;
	[tilespmem:$0x1DDA0] =	vst v63  }
0x91: {  	p1 =	seq.s32 s13, $0x4D8;
	_ =	swait.ge [sflag:s30], $0x50  }
0x92: {  	[sflag:s30] =	ssyncset.done $0x0  }
0x93: {  	s13 =	sadd.s32 s12, s26;
	s12 =	smov.u32 s15;
	[sflag:s30] =	ssyncadd.s32 $0xFFFFFFB0  }
0x94: {  	[tilespmem:s0], [sflag:$0x2] =	stream.linear.gather [hbm4b:s13+s4], $0x50, $0x38;
	[tilespmem:$0x1DDA0] =	vst v63  }
0x95: {  	_ =	swait.ge [sflag:s30], $0x50  }
0x96: {  	[sflag:s30] =	ssyncset.done $0x0  }
0x97: {  	[sflag:s30] =	ssyncadd.s32 $0xFFFFFFB0  }
0x98: {  	[tilespmem:s7], [sflag:$0x1] =	stream.indirect.gather [hbm4b:s5+s0], $0x80, s4, s0, $0xb8;
	[tilespmem:$0x1DDA0] =	vst v63  }
0x99: {  	_ =	swait.ge [sflag:s8], $0x2800  }
0x9a: {  	[sflag:s8] =	ssyncset.done $0x0  }
0x9b: {  	[sflag:s8] =	ssyncadd.s32 $0xFFFFD800  }
0x9c: {  	[tilespmem:s9], [sflag:$0x2] =	stream.linear.gather [hbm4b:s1+s4], $0x500, $0x38;
	[tilespmem:$0x1DDA0] =	vst v63  }
0x9d: {  	_ =	swait.ge [sflag:s30], $0x500  }
0x9e: {  	[sflag:s30] =	ssyncset.done $0x0  }
0x9f: {  	[sflag:s30] =	ssyncadd.s32 $0xFFFFFB00  }
0xa0: {  	[spmem:s2] =	stream.indirect.scatter.add.f32 [tilespmem:s7], [sflag:$0x2], $0x80, s0, s0, $0xb8;
	[tilespmem:$0x1DDA0] =	vst v63  }
0xa1: {  	_ =	swait.ge [sflag:s30], $0x2800  }
.Ltmp5:
0xa2: {  	[sflag:s30] =	ssyncset.done $0x0;
	(pc) =	sbr.rel @!p1 .LBB2_7-.Ltmp5, $4  }
0xa3: {  	[sflag:s30] =	ssyncadd.s32 $0xFFFFD800  }
0xa4: {  	[spmem:s3] =	stream.indirect.scatter.add.f32 [tilespmem:s9], [sflag:$0x2], $0x10, s0, s0, $0xb8;
	[tilespmem:$0x1DDA0] =	vst v63  }
0xa5: {  	_ =	swait.ge [sflag:s30], $0x500  }
0xa6: {  	s13 =	smov.u32 s16;
	s1 =	sadd.s32 $0xA0, s1;
	[sflag:s30] =	ssyncset.done $0x0  }
0xa7: {  	s13 =	sadd.s32 s12, s28;
	[sflag:s30] =	ssyncadd.s32 $0xFFFFFB00  }
0xa8: {  	[tilespmem:s4], [sflag:$0x2] =	stream.linear.gather [hbm4b:s13+s4], $0x50, $0x38;
	[tilespmem:$0x1DDA0] =	vst v63  }
0xa9: {  	_ =	swait.ge [sflag:s30], $0x50  }
0xaa: {  	[sflag:s30] =	ssyncset.done $0x0  }
0xab: {  	s16 =	sadd.s32 s12, s26;
	[sflag:s30] =	ssyncadd.s32 $0xFFFFFFB0  }
0xac: {  	[tilespmem:s0], [sflag:$0x2] =	stream.linear.gather [hbm4b:s16+s4], $0x50, $0x38;
	[tilespmem:$0x1DDA0] =	vst v63  }
0xad: {  	_ =	swait.ge [sflag:s30], $0x50  }
0xae: {  	[sflag:s30] =	ssyncset.done $0x0  }
0xaf: {  	[sflag:s30] =	ssyncadd.s32 $0xFFFFFFB0  }
0xb0: {  	[tilespmem:s7], [sflag:$0x1] =	stream.indirect.gather [hbm4b:s5+s0], $0x80, s4, s0, $0xb8;
	[tilespmem:$0x1DDA0] =	vst v63  }
0xb1: {  	_ =	swait.ge [sflag:s8], $0x2800  }
0xb2: {  	[sflag:s8] =	ssyncset.done $0x0  }
0xb3: {  	[sflag:s8] =	ssyncadd.s32 $0xFFFFD800  }
0xb4: {  	[tilespmem:s9], [sflag:$0x2] =	stream.linear.gather [hbm4b:s1+s4], $0x500, $0x38;
	[tilespmem:$0x1DDA0] =	vst v63  }
0xb5: {  	_ =	swait.ge [sflag:s30], $0x500  }
0xb6: {  	[sflag:s30] =	ssyncset.done $0x0  }
0xb7: {  	[sflag:s30] =	ssyncadd.s32 $0xFFFFFB00  }
0xb8: {  	[spmem:s2] =	stream.indirect.scatter.add.f32 [tilespmem:s7], [sflag:$0x2], $0x80, s0, s0, $0xb8;
	[tilespmem:$0x1DDA0] =	vst v63  }
0xb9: {  	_ =	swait.ge [sflag:s30], $0x2800  }
0xba: {  	[sflag:s30] =	ssyncset.done $0x0  }
.Ltmp6:
0xbb: {  	[sflag:s30] =	ssyncadd.s32 $0xFFFFD800;
	(pc) =	sbr.rel .LBB2_12-.Ltmp6, $4  }
0xbc: {  	[spmem:s3] =	stream.indirect.scatter.add.f32 [tilespmem:s9], [sflag:$0x2], $0x10, s0, s0, $0xb8;
	[tilespmem:$0x1DDA0] =	vst v63  }
0xbd: {  	_ =	swait.ge [sflag:s30], $0x500  }
0xbe: {  	[sflag:s30] =	ssyncset.done $0x0;
	s12 =	rddreg [dreg:$0x5]  }
0xbf: {  	s1 =	rddreg [dreg:$0x7];
	[sflag:s30] =	ssyncadd.s32 $0xFFFFFB00  }
.LBB2_9:
0xc0: {  	[tilespmem:s4], [sflag:$0x2] =	stream.linear.gather [hbm4b:s1+s4], $0x50, $0x38;
	[tilespmem:$0x1DDA0] =	vst v63  }
0xc1: {  	_ =	swait.ge [sflag:s30], $0x50  }
0xc2: {  	[sflag:s30] =	ssyncset.done $0x0  }
0xc3: {  	s16 =	sadd.s32 $0x0, s26;
	[sflag:s30] =	ssyncadd.s32 $0xFFFFFFB0  }
0xc4: {  	[tilespmem:s0], [sflag:$0x2] =	stream.linear.gather [hbm4b:s16+s4], $0x50, $0x38;
	[tilespmem:$0x1DDA0] =	vst v63  }
0xc5: {  	_ =	swait.ge [sflag:s30], $0x50  }
0xc6: {  	[sflag:s30] =	ssyncset.done $0x0  }
0xc7: {  	[sflag:s30] =	ssyncadd.s32 $0xFFFFFFB0  }
0xc8: {  	[tilespmem:s7], [sflag:$0x1] =	stream.indirect.gather [hbm4b:s6+s0], $0x80, s4, s0, $0xb8;
	[tilespmem:$0x1DDA0] =	vst v63  }
0xc9: {  	_ =	swait.ge [sflag:s8], $0x2800  }
0xca: {  	[sflag:s8] =	ssyncset.done $0x0  }
0xcb: {  	[sflag:s8] =	ssyncadd.s32 $0xFFFFD800  }
0xcc: {  	[tilespmem:s9], [sflag:$0x2] =	stream.linear.gather [hbm4b:s25+s4], $0x500, $0x38;
	[tilespmem:$0x1DDA0] =	vst v63  }
0xcd: {  	_ =	swait.ge [sflag:s30], $0x500  }
0xce: {  	[sflag:s30] =	ssyncset.done $0x0  }
0xcf: {  	[sflag:s30] =	ssyncadd.s32 $0xFFFFFB00  }
0xd0: {  	[spmem:s2] =	stream.indirect.scatter.add.f32 [tilespmem:s7], [sflag:$0x2], $0x80, s0, s0, $0xb8;
	[tilespmem:$0x1DDA0] =	vst v63  }
0xd1: {  	_ =	swait.ge [sflag:s30], $0x2800  }
0xd2: {  	[sflag:s30] =	ssyncset.done $0x0  }
0xd3: {  	[sflag:s30] =	ssyncadd.s32 $0xFFFFD800  }
0xd4: {  	[spmem:s3] =	stream.indirect.scatter.add.f32 [tilespmem:s9], [sflag:$0x2], $0x10, s0, s0, $0xb8;
	[tilespmem:$0x1DDA0] =	vst v63  }
0xd5: {  	s12 =	simm.s32 $0xA;
	_ =	swait.ge [sflag:s30], $0x500  }
0xd6: {  	s13 =	simm.s32 $0x14;
	s1 =	sadd.s32 $0xA0, s25;
	[sflag:s30] =	ssyncset.done $0x0  }
.LBB2_10:
0xd7: {  	s14 =	sadd.s32 s12, s28  }
0xd8: {  	[sflag:s30] =	ssyncadd.s32 $0xFFFFFB00;
	s15 =	smov.u32 s13;
	s16 =	sadd.s32 $0xA, s13  }
0xd9: {  	[tilespmem:s4], [sflag:$0x2] =	stream.linear.gather [hbm4b:s14+s4], $0x50, $0x38;
	[tilespmem:$0x1DDA0] =	vst v63  }
0xda: {  	p1 =	sne.s32 s13, $0x4D8;
	_ =	swait.ge [sflag:s30], $0x50  }
0xdb: {  	[sflag:s30] =	ssyncset.done $0x0  }
0xdc: {  	s13 =	sadd.s32 s12, s26;
	s12 =	smov.u32 s15;
	[sflag:s30] =	ssyncadd.s32 $0xFFFFFFB0  }
0xdd: {  	[tilespmem:s0], [sflag:$0x2] =	stream.linear.gather [hbm4b:s13+s4], $0x50, $0x38;
	[tilespmem:$0x1DDA0] =	vst v63  }
0xde: {  	_ =	swait.ge [sflag:s30], $0x50  }
0xdf: {  	[sflag:s30] =	ssyncset.done $0x0  }
0xe0: {  	[sflag:s30] =	ssyncadd.s32 $0xFFFFFFB0  }
0xe1: {  	[tilespmem:s7], [sflag:$0x1] =	stream.indirect.gather [hbm4b:s6+s0], $0x80, s4, s0, $0xb8;
	[tilespmem:$0x1DDA0] =	vst v63  }
0xe2: {  	_ =	swait.ge [sflag:s8], $0x2800  }
0xe3: {  	[sflag:s8] =	ssyncset.done $0x0  }
0xe4: {  	[sflag:s8] =	ssyncadd.s32 $0xFFFFD800  }
0xe5: {  	[tilespmem:s9], [sflag:$0x2] =	stream.linear.gather [hbm4b:s1+s4], $0x500, $0x38;
	[tilespmem:$0x1DDA0] =	vst v63  }
0xe6: {  	_ =	swait.ge [sflag:s30], $0x500  }
0xe7: {  	[sflag:s30] =	ssyncset.done $0x0  }
0xe8: {  	[sflag:s30] =	ssyncadd.s32 $0xFFFFFB00  }
0xe9: {  	[spmem:s2] =	stream.indirect.scatter.add.f32 [tilespmem:s7], [sflag:$0x2], $0x80, s0, s0, $0xb8;
	[tilespmem:$0x1DDA0] =	vst v63  }
0xea: {  	_ =	swait.ge [sflag:s30], $0x2800  }
.Ltmp7:
0xeb: {  	[sflag:s30] =	ssyncset.done $0x0;
	(pc) =	sbr.rel @p1 .LBB2_10-.Ltmp7, $4  }
0xec: {  	[sflag:s30] =	ssyncadd.s32 $0xFFFFD800  }
0xed: {  	[spmem:s3] =	stream.indirect.scatter.add.f32 [tilespmem:s9], [sflag:$0x2], $0x10, s0, s0, $0xb8;
	[tilespmem:$0x1DDA0] =	vst v63  }
0xee: {  	_ =	swait.ge [sflag:s30], $0x500  }
0xef: {  	s13 =	smov.u32 s16;
	s1 =	sadd.s32 $0xA0, s1;
	[sflag:s30] =	ssyncset.done $0x0  }
.Ltmp8:
0xf0: {  	_ = 	snop;
	(pc) =	sbr.rel .LBB2_11-.Ltmp8, $1  }
0xf1: {  	_ =	sdelay $0x3  }
.LBB2_13:
0xf2: {  	_ =	sfence.sel $0x180000  }
0xf3: {  	[bflag:$0x0] =	sbarrier.arrive $0xFFFF  }
0xf4: {  	_ =	strace $0x90000047  }
0xf5: {  	s0 =	stileid.u32;
	[bflag:$0x2] =	sbarrier.arrive $0xFFFF  }
0xf6: {  	p0 =	sne.s32 s0, $0x0;
	s0 =	rddreg [dreg:$0x4]  }
0xf7: {  	s0 =	sadd.s32 @!p0 $0x100000, s0  }
0xf8: {  	[sflag:s0] =	ssyncadd.tile.s32 @!p0 $0x1;
	_ =	shalt  }
.Lfunc_end2:
_tile_overlayer_lowered:
.L_overlay_start_2:
0xf9: {  	(tag) =	ssettag $0x2  }
0xfa: {  	s0 =	rddreg [dreg:$0x0];
	s2 =	stileid.u32  }
0xfb: {  	s1 =	rddreg [dreg:$0x1];
	p0 =	sne.s32 s2, $0x0  }
0xfc: {  	s3 =	rddreg [dreg:$0x2];
	[bflag:$0x3] =	sbarrier.arrive $0xFFFF;
	s2 =	simm.s32 @!p0 $0x1C02  }
0xfd: {  	[timem:s3], [sflag:s2] =	dma.local @!p0 [hbm:s0], s1  }
0xfe: {  	s0 =	simm.s32 @!p0 $0x2  }
0xff: {  	_ =	swait.ge @!p0 [sflag:s0], s1  }
0x100: {  	s1 =	ssub.s32 @!p0 $0x0, s1;
	[sflag:s0] =	ssyncset.done @!p0 $0x0  }
0x101: {  	[sflag:s0] =	ssyncadd.s32 @!p0 s1  }
0x102: {  	[bflag:$0x3] =	sbarrier.arrive $0xFFFF  }
0x103: {  	_ =	shalt  }

</sc_bundles>
